<compile_context>
chip_gen: v7x
topology: tpu7x:2x2x1
jax: 0.10.2.dev20260603
libtpu: 0.0.44.dev20260713+nightly
codegen_flags: <defaults>
</compile_context>

<pallas_src>
import functools

import jax
import jax.numpy as jnp
from jax import lax
from jax.experimental import pallas as pl
from jax.experimental.pallas import tpu as pltpu
from jax.experimental.pallas import tpu_sc as plsc

Q = 1024
D = 1024
K = 32768
KNN = 4
KB = 4096
NKB = K // KB
NEG = float("-inf")
BIGI = 2**30


BIGF = float(2**24)
RW = 128


def _topk_body(src_ref, tgt_ref, idx_out_ref, rv_ref, ri_ref, srcb_ref):
    kb = pl.program_id(0)

    @pl.when(kb == 0)
    def _init():
        rv_ref[...] = jnp.full((Q, RW), NEG, jnp.float32)
        ri_ref[...] = jnp.full((Q, RW), BIGF, jnp.float32)
        q = src_ref[...]
        qn = jnp.maximum(jnp.sqrt(jnp.sum(q * q, axis=1, keepdims=True)),
                         1e-12)
        srcb_ref[...] = (q / qn).astype(jnp.bfloat16)

    t = tgt_ref[...]
    nrm = jnp.maximum(jnp.sqrt(jnp.sum(t * t, axis=1, keepdims=True)), 1e-12)
    tb = (t / nrm).astype(jnp.bfloat16)
    s = lax.dot_general(
        srcb_ref[...], tb, (((1,), (1,)), ((), ())),
        preferred_element_type=jnp.float32)

    colf = lax.broadcasted_iota(jnp.int32, (Q, KB), 1).astype(jnp.float32)
    off = jnp.float32(kb * KB)

    x = s
    rv = rv_ref[...]
    ri = ri_ref[...]
    ms, as_ = [], []
    for t_ in range(KNN):
        m = jnp.maximum(jnp.max(x, axis=1, keepdims=True),
                        jnp.max(rv, axis=1, keepdims=True))
        a = jnp.minimum(
            jnp.min(jnp.where(x == m, colf, BIGF), axis=1, keepdims=True)
            + off,
            jnp.min(jnp.where(rv == m, ri, BIGF), axis=1, keepdims=True))
        ms.append(m)
        as_.append(a)
        if t_ < KNN - 1:
            x = jnp.where(colf == a - off, NEG, x)
            rv = jnp.where(ri == a, NEG, rv)

    lane = lax.broadcasted_iota(jnp.int32, (Q, RW), 1)
    nrv = jnp.full((Q, RW), NEG, jnp.float32)
    nri = jnp.full((Q, RW), BIGF, jnp.float32)
    for t_ in range(KNN):
        nrv = jnp.where(lane == t_, ms[t_], nrv)
        nri = jnp.where(lane == t_, as_[t_], nri)
    rv_ref[...] = nrv
    ri_ref[...] = nri

    @pl.when(kb == NKB - 1)
    def _out():
        idx_out_ref[...] = nri[:, :KNN].astype(jnp.int32)


def _topk_indices(src_f32, tgt_f32):
    return pl.pallas_call(
        _topk_body,
        grid=(NKB,),
        in_specs=[
            pl.BlockSpec((Q, D), lambda k: (0, 0)),
            pl.BlockSpec((KB, D), lambda k: (k, 0)),
        ],
        out_specs=pl.BlockSpec((Q, KNN), lambda k: (0, 0)),
        out_shape=jax.ShapeDtypeStruct((Q, KNN), jnp.int32),
        scratch_shapes=[
            pltpu.VMEM((Q, RW), jnp.float32),
            pltpu.VMEM((Q, RW), jnp.float32),
            pltpu.VMEM((Q, D), jnp.bfloat16),
        ],
        compiler_params=pltpu.CompilerParams(
            vmem_limit_bytes=110 * 1024 * 1024),
    )(src_f32, tgt_f32)


NW = 32
QPW = Q // NW
QC = 8
NCH = QPW // QC
RC = QC * KNN


def _gather_mean_body(tgt_hbm, idx_hbm, out_hbm,
                      idx0, idx1, rows0, rows1, acc_v, sem0, sem1):
    c = lax.axis_index("c")
    s = lax.axis_index("s")
    wid = s * 2 + c
    qbase = wid * QPW
    idx_b = (idx0, idx1)
    rows_b = (rows0, rows1)
    sem_b = (sem0, sem1)

    def start(ch):
        b = ch % 2
        rbase = (qbase + ch * QC) * KNN
        pltpu.sync_copy(idx_hbm.at[pl.ds(rbase, RC)], idx_b[b])
        pltpu.async_copy(tgt_hbm.at[idx_b[b]], rows_b[b], sem_b[b])

    start(0)
    for ch in range(NCH):
        b = ch % 2
        rows_v = rows_b[b]
        pltpu.make_async_copy(tgt_hbm.at[idx_b[b]], rows_v, sem_b[b]).wait()
        if ch + 1 < NCH:
            start(ch + 1)

        def cloop(cc, carry):
            sl = pl.ds(cc * 16, 16)
            for q in range(QC):
                v = ((rows_v[q * KNN + 0, sl] + rows_v[q * KNN + 1, sl])
                     + (rows_v[q * KNN + 2, sl] + rows_v[q * KNN + 3, sl]))
                acc_v[q, sl] = v * 0.25
            return carry
        lax.fori_loop(0, D // 16, cloop, 0)
        pltpu.sync_copy(acc_v, out_hbm.at[pl.ds(qbase + ch * QC, QC)])


def _gather_mean(target_feats, idx_flat):
    mesh = plsc.VectorSubcoreMesh(core_axis_name="c", subcore_axis_name="s")
    f = functools.partial(
        pl.kernel,
        mesh=mesh,
        out_type=jax.ShapeDtypeStruct((Q, D), jnp.float32),
        scratch_types=[
            pltpu.VMEM((RC,), jnp.int32),
            pltpu.VMEM((RC,), jnp.int32),
            pltpu.VMEM((RC, D), jnp.float32),
            pltpu.VMEM((RC, D), jnp.float32),
            pltpu.VMEM((QC, D), jnp.float32),
            pltpu.SemaphoreType.DMA,
            pltpu.SemaphoreType.DMA,
        ],
    )(_gather_mean_body)
    return f(target_feats, idx_flat)


def kernel(source_feats, target_feats):
    idx = _topk_indices(source_feats, target_feats)
    return _gather_mean(target_feats, idx.reshape(Q * KNN))

# --- scband reference (transcript-rebuilt; emitter-appended) ---
"""Pipeline reference for scband-k-nn-vc-22625887716023 (READ-ONLY COPY).

The authoritative reference and input builder live on the scoring server;
editing this copy changes nothing except your own understanding.
"""

import jax, jax.numpy as jnp
import numpy as np

K_NEIGHBORS = 4

def setup_inputs(seed: int = 0) -> dict:
    key = jax.random.key(seed)
    k1, k2 = jax.random.split(key)
    source_feats = jax.random.normal(k1, (1024, 1024), dtype=jnp.float32)
    target_feats = jax.random.normal(k2, (32768, 1024), dtype=jnp.float32)
    return {"source_feats": source_feats, "target_feats": target_feats}

def reference(source_feats, target_feats):
    # Faithful jax translation of kNN_VC.knn_matching:
    # sklearn NearestNeighbors(metric='cosine') -> dist = 1 - cos_sim;
    # k smallest cosine distances == k largest cosine similarities.
    eps = 1e-12
    src_norm = source_feats / jnp.maximum(jnp.linalg.norm(source_feats, axis=1, keepdims=True), eps)
    tgt_norm = target_feats / jnp.maximum(jnp.linalg.norm(target_feats, axis=1, keepdims=True), eps)
    sim = src_norm @ tgt_norm.T  # [Q, K] -- compute-dominant matmul
    top_sim, indices = jax.lax.top_k(sim, K_NEIGHBORS)  # [Q, k]
    distances = 1.0 - top_sim
    neighbors = jnp.take(target_feats, indices, axis=0)  # [Q, k, d] gather
    output_features = neighbors.mean(axis=1)  # averaged neighbor features [Q, d]
    return output_features

if __name__ == "__main__":
    import jax
    _d = setup_inputs()
    print(jax.jit(kernel)(*tuple(_d.values())))

</pallas_src>

<mosaic_0001>
#map = affine_map<(d0, d1) -> (0, 0)>
#map1 = affine_map<(d0, d1) -> (0)>
module attributes {stable_mosaic.version = 14 : i64} {
  func.func @_gather_mean_body(%arg0: i32, %arg1: i32, %arg2: memref<32768x1024xf32, #tpu.memory_space<hbm>>, %arg3: memref<4096xi32, #tpu.memory_space<hbm>>, %arg4: memref<1024x1024xf32, #tpu.memory_space<hbm>>, %arg5: memref<32xi32, #tpu.memory_space<vmem>>, %arg6: memref<32xi32, #tpu.memory_space<vmem>>, %arg7: memref<32x1024xf32, #tpu.memory_space<vmem>>, %arg8: memref<32x1024xf32, #tpu.memory_space<vmem>>, %arg9: memref<8x1024xf32, #tpu.memory_space<vmem>>, %arg10: memref<!tpu.dma_semaphore, #tpu.memory_space<semaphore_mem>>, %arg11: memref<!tpu.dma_semaphore, #tpu.memory_space<semaphore_mem>>) attributes {dimension_semantics = [#tpu.dimension_semantics<core_parallel>, #tpu.dimension_semantics<subcore_parallel>], iteration_bounds = array<i64: 2, 16>, scalar_prefetch = 0 : i64, scratch_operands = 7 : i64, tpu.core_type = #tpu.core_type<sc_vector_subcore>, window_params = [{transform_indices = #map}, {transform_indices = #map1}, {transform_indices = #map}]} {
    %mul3A = arith.constant 2 : i32
    %mul3A_0 = arith.muli %arg1, %mul3A : i32
    %add3A = arith.addi %mul3A_0, %arg0 : i32
    %mul3A_1 = arith.constant 32 : i32
    %mul3A_2 = arith.muli %add3A, %mul3A_1 : i32
    %add3A_3 = arith.constant 0 : i32
    %add3A_4 = arith.addi %mul3A_2, %add3A_3 : i32
    %mul3A_5 = arith.constant 4 : i32
    %mul3A_6 = arith.muli %add3A_4, %mul3A_5 : i32
    "tpu.region"() ({
      %run_scoped3A = tpu.sem_alloc : memref<!tpu.dma_semaphore, #tpu.memory_space<semaphore_mem>>
      %dma_start3A_72 = tpu.memref_slice %arg3[%mul3A_6] : memref<4096xi32, #tpu.memory_space<hbm>> -> memref<32xi32, #tpu.memory_space<hbm>>
      %dma_start3A_73 = tpu.memref_slice %arg3[%mul3A_6] : memref<4096xi32, #tpu.memory_space<hbm>> -> memref<32xi32, #tpu.memory_space<hbm>>
      tpu.enqueue_dma source(%dma_start3A_73 : memref<32xi32, #tpu.memory_space<hbm>>) target(%arg5 : memref<32xi32, #tpu.memory_space<vmem>>) target_semaphore(%run_scoped3A : memref<!tpu.dma_semaphore, #tpu.memory_space<semaphore_mem>>)
      %dma_wait3A_74 = tpu.memref_slice %arg3[%mul3A_6] : memref<4096xi32, #tpu.memory_space<hbm>> -> memref<32xi32, #tpu.memory_space<hbm>>
      %dma_wait3A_75 = tpu.memref_slice %arg3[%mul3A_6] : memref<4096xi32, #tpu.memory_space<hbm>> -> memref<32xi32, #tpu.memory_space<hbm>>
      tpu.wait_dma2 semaphore(%run_scoped3A : memref<!tpu.dma_semaphore, #tpu.memory_space<semaphore_mem>>) src(%dma_wait3A_75 : memref<32xi32, #tpu.memory_space<hbm>>) dst(%arg5 : memref<32xi32, #tpu.memory_space<vmem>>)
      tpu.yield
    }) : () -> ()
    %dma_start3A = arith.constant 0 : i32
    %dma_start3A_7 = arith.constant 0 : i32
    %dma_start3A_8 = tpu.memref_slice %arg2[%dma_start3A, %dma_start3A_7] : memref<32768x1024xf32, #tpu.memory_space<hbm>> -> memref<32768x1024xf32, #tpu.memory_space<hbm>>
    tpu.enqueue_indirect_dma source(%dma_start3A_8 : memref<32768x1024xf32, #tpu.memory_space<hbm>>) target(%arg7 : memref<32x1024xf32, #tpu.memory_space<vmem>>) offsets(%arg5 : memref<32xi32, #tpu.memory_space<vmem>>) semaphore(%arg10 : memref<!tpu.dma_semaphore, #tpu.memory_space<semaphore_mem>>)
    %dma_wait3A = arith.constant 0 : i32
    %dma_wait3A_9 = arith.constant 0 : i32
    %dma_wait3A_10 = tpu.memref_slice %arg2[%dma_wait3A, %dma_wait3A_9] : memref<32768x1024xf32, #tpu.memory_space<hbm>> -> memref<32768x1024xf32, #tpu.memory_space<hbm>>
    tpu.wait_indirect_dma semaphore(%arg10 : memref<!tpu.dma_semaphore, #tpu.memory_space<semaphore_mem>>) src(%dma_wait3A_10 : memref<32768x1024xf32, #tpu.memory_space<hbm>>) dst(%arg7 : memref<32x1024xf32, #tpu.memory_space<vmem>>)
    %add3A_11 = arith.constant 8 : i32
    %add3A_12 = arith.addi %mul3A_2, %add3A_11 : i32
    %mul3A_13 = arith.constant 4 : i32
    %mul3A_14 = arith.muli %add3A_12, %mul3A_13 : i32
    "tpu.region"() ({
      %run_scoped3A = tpu.sem_alloc : memref<!tpu.dma_semaphore, #tpu.memory_space<semaphore_mem>>
      %dma_start3A_72 = tpu.memref_slice %arg3[%mul3A_14] : memref<4096xi32, #tpu.memory_space<hbm>> -> memref<32xi32, #tpu.memory_space<hbm>>
      %dma_start3A_73 = tpu.memref_slice %arg3[%mul3A_14] : memref<4096xi32, #tpu.memory_space<hbm>> -> memref<32xi32, #tpu.memory_space<hbm>>
      tpu.enqueue_dma source(%dma_start3A_73 : memref<32xi32, #tpu.memory_space<hbm>>) target(%arg6 : memref<32xi32, #tpu.memory_space<vmem>>) target_semaphore(%run_scoped3A : memref<!tpu.dma_semaphore, #tpu.memory_space<semaphore_mem>>)
      %dma_wait3A_74 = tpu.memref_slice %arg3[%mul3A_14] : memref<4096xi32, #tpu.memory_space<hbm>> -> memref<32xi32, #tpu.memory_space<hbm>>
      %dma_wait3A_75 = tpu.memref_slice %arg3[%mul3A_14] : memref<4096xi32, #tpu.memory_space<hbm>> -> memref<32xi32, #tpu.memory_space<hbm>>
      tpu.wait_dma2 semaphore(%run_scoped3A : memref<!tpu.dma_semaphore, #tpu.memory_space<semaphore_mem>>) src(%dma_wait3A_75 : memref<32xi32, #tpu.memory_space<hbm>>) dst(%arg6 : memref<32xi32, #tpu.memory_space<vmem>>)
      tpu.yield
    }) : () -> ()
    %dma_start3A_15 = arith.constant 0 : i32
    %dma_start3A_16 = arith.constant 0 : i32
    %dma_start3A_17 = tpu.memref_slice %arg2[%dma_start3A_15, %dma_start3A_16] : memref<32768x1024xf32, #tpu.memory_space<hbm>> -> memref<32768x1024xf32, #tpu.memory_space<hbm>>
    tpu.enqueue_indirect_dma source(%dma_start3A_17 : memref<32768x1024xf32, #tpu.memory_space<hbm>>) target(%arg8 : memref<32x1024xf32, #tpu.memory_space<vmem>>) offsets(%arg6 : memref<32xi32, #tpu.memory_space<vmem>>) semaphore(%arg11 : memref<!tpu.dma_semaphore, #tpu.memory_space<semaphore_mem>>)
    %scan3A = arith.constant 0 : i32
    %scan3A_18 = arith.constant 0 : i32
    %scan3A_19 = arith.constant 64 : i32
    %scan3A_20 = arith.addi %scan3A_18, %scan3A_19 : i32
    %scan3A_21 = arith.constant 1 : i32
    scf.for %scan3A_72 = %scan3A_18 to %scan3A_20 step %scan3A_21  : i32 {
      %mul3A_73 = arith.constant 16 : i32
      %mul3A_74 = arith.muli %scan3A_72, %mul3A_73 : i32
      %get3A = arith.constant 0 : i32
      %get3A_75 = arith.index_cast %get3A : i32 to index
      %get3A_76 = arith.index_cast %mul3A_74 : i32 to index
      %get3A_77 = tpu.vector_load %arg7[%get3A_75, %get3A_76] {strides = array<i32>} : memref<32x1024xf32, #tpu.memory_space<vmem>>, vector<1x16xf32>,
      %get3A_78 = vector.shape_cast %get3A_77 : vector<1x16xf32> to vector<16xf32>
      %get3A_79 = arith.constant 1 : i32
      %get3A_80 = arith.index_cast %get3A_79 : i32 to index
      %get3A_81 = arith.index_cast %mul3A_74 : i32 to index
      %get3A_82 = tpu.vector_load %arg7[%get3A_80, %get3A_81] {strides = array<i32>} : memref<32x1024xf32, #tpu.memory_space<vmem>>, vector<1x16xf32>,
      %get3A_83 = vector.shape_cast %get3A_82 : vector<1x16xf32> to vector<16xf32>
      %add3A_84 = arith.addf %get3A_78, %get3A_83 : vector<16xf32>
      %get3A_85 = arith.constant 2 : i32
      %get3A_86 = arith.index_cast %get3A_85 : i32 to index
      %get3A_87 = arith.index_cast %mul3A_74 : i32 to index
      %get3A_88 = tpu.vector_load %arg7[%get3A_86, %get3A_87] {strides = array<i32>} : memref<32x1024xf32, #tpu.memory_space<vmem>>, vector<1x16xf32>,
      %get3A_89 = vector.shape_cast %get3A_88 : vector<1x16xf32> to vector<16xf32>
      %get3A_90 = arith.constant 3 : i32
      %get3A_91 = arith.index_cast %get3A_90 : i32 to index
      %get3A_92 = arith.index_cast %mul3A_74 : i32 to index
      %get3A_93 = tpu.vector_load %arg7[%get3A_91, %get3A_92] {strides = array<i32>} : memref<32x1024xf32, #tpu.memory_space<vmem>>, vector<1x16xf32>,
      %get3A_94 = vector.shape_cast %get3A_93 : vector<1x16xf32> to vector<16xf32>
      %add3A_95 = arith.addf %get3A_89, %get3A_94 : vector<16xf32>
      %add3A_96 = arith.addf %add3A_84, %add3A_95 : vector<16xf32>
      %mul3A_97 = arith.constant 2.500000e-01 : f32
      %mul3A_98 = vector.broadcast %mul3A_97 : f32 to vector<16xf32>
      %mul3A_99 = arith.mulf %add3A_96, %mul3A_98 : vector<16xf32>
      %swap3A = arith.constant 0 : i32
      %swap3A_100 = arith.index_cast %swap3A : i32 to index
      %swap3A_101 = arith.index_cast %mul3A_74 : i32 to index
      %swap3A_102 = tpu.vector_load %arg9[%swap3A_100, %swap3A_101] {strides = array<i32>} : memref<8x1024xf32, #tpu.memory_space<vmem>>, vector<1x16xf32>,
      %swap3A_103 = vector.shape_cast %swap3A_102 : vector<1x16xf32> to vector<16xf32>
      %swap3A_104 = vector.shape_cast %mul3A_99 : vector<16xf32> to vector<1x16xf32>
      tpu.vector_store %arg9[%swap3A_100, %swap3A_101], %swap3A_104 {strides = array<i32>} : memref<8x1024xf32, #tpu.memory_space<vmem>>, vector<1x16xf32>,
      %get3A_105 = arith.constant 4 : i32
      %get3A_106 = arith.index_cast %get3A_105 : i32 to index
      %get3A_107 = arith.index_cast %mul3A_74 : i32 to index
      %get3A_108 = tpu.vector_load %arg7[%get3A_106, %get3A_107] {strides = array<i32>} : memref<32x1024xf32, #tpu.memory_space<vmem>>, vector<1x16xf32>,
      %get3A_109 = vector.shape_cast %get3A_108 : vector<1x16xf32> to vector<16xf32>
      %get3A_110 = arith.constant 5 : i32
      %get3A_111 = arith.index_cast %get3A_110 : i32 to index
      %get3A_112 = arith.index_cast %mul3A_74 : i32 to index
      %get3A_113 = tpu.vector_load %arg7[%get3A_111, %get3A_112] {strides = array<i32>} : memref<32x1024xf32, #tpu.memory_space<vmem>>, vector<1x16xf32>,
      %get3A_114 = vector.shape_cast %get3A_113 : vector<1x16xf32> to vector<16xf32>
      %add3A_115 = arith.addf %get3A_109, %get3A_114 : vector<16xf32>
      %get3A_116 = arith.constant 6 : i32
      %get3A_117 = arith.index_cast %get3A_116 : i32 to index
      %get3A_118 = arith.index_cast %mul3A_74 : i32 to index
      %get3A_119 = tpu.vector_load %arg7[%get3A_117, %get3A_118] {strides = array<i32>} : memref<32x1024xf32, #tpu.memory_space<vmem>>, vector<1x16xf32>,
      %get3A_120 = vector.shape_cast %get3A_119 : vector<1x16xf32> to vector<16xf32>
      %get3A_121 = arith.constant 7 : i32
      %get3A_122 = arith.index_cast %get3A_121 : i32 to index
      %get3A_123 = arith.index_cast %mul3A_74 : i32 to index
      %get3A_124 = tpu.vector_load %arg7[%get3A_122, %get3A_123] {strides = array<i32>} : memref<32x1024xf32, #tpu.memory_space<vmem>>, vector<1x16xf32>,
      %get3A_125 = vector.shape_cast %get3A_124 : vector<1x16xf32> to vector<16xf32>
      %add3A_126 = arith.addf %get3A_120, %get3A_125 : vector<16xf32>
      %add3A_127 = arith.addf %add3A_115, %add3A_126 : vector<16xf32>
      %mul3A_128 = arith.constant 2.500000e-01 : f32
      %mul3A_129 = vector.broadcast %mul3A_128 : f32 to vector<16xf32>
      %mul3A_130 = arith.mulf %add3A_127, %mul3A_129 : vector<16xf32>
      %swap3A_131 = arith.constant 1 : i32
      %swap3A_132 = arith.index_cast %swap3A_131 : i32 to index
      %swap3A_133 = arith.index_cast %mul3A_74 : i32 to index
      %swap3A_134 = tpu.vector_load %arg9[%swap3A_132, %swap3A_133] {strides = array<i32>} : memref<8x1024xf32, #tpu.memory_space<vmem>>, vector<1x16xf32>,
      %swap3A_135 = vector.shape_cast %swap3A_134 : vector<1x16xf32> to vector<16xf32>
      %swap3A_136 = vector.shape_cast %mul3A_130 : vector<16xf32> to vector<1x16xf32>
      tpu.vector_store %arg9[%swap3A_132, %swap3A_133], %swap3A_136 {strides = array<i32>} : memref<8x1024xf32, #tpu.memory_space<vmem>>, vector<1x16xf32>,
      %get3A_137 = arith.constant 8 : i32
      %get3A_138 = arith.index_cast %get3A_137 : i32 to index
      %get3A_139 = arith.index_cast %mul3A_74 : i32 to index
      %get3A_140 = tpu.vector_load %arg7[%get3A_138, %get3A_139] {strides = array<i32>} : memref<32x1024xf32, #tpu.memory_space<vmem>>, vector<1x16xf32>,
      %get3A_141 = vector.shape_cast %get3A_140 : vector<1x16xf32> to vector<16xf32>
      %get3A_142 = arith.constant 9 : i32
      %get3A_143 = arith.index_cast %get3A_142 : i32 to index
      %get3A_144 = arith.index_cast %mul3A_74 : i32 to index
      %get3A_145 = tpu.vector_load %arg7[%get3A_143, %get3A_144] {strides = array<i32>} : memref<32x1024xf32, #tpu.memory_space<vmem>>, vector<1x16xf32>,
      %get3A_146 = vector.shape_cast %get3A_145 : vector<1x16xf32> to vector<16xf32>
      %add3A_147 = arith.addf %get3A_141, %get3A_146 : vector<16xf32>
      %get3A_148 = arith.constant 10 : i32
      %get3A_149 = arith.index_cast %get3A_148 : i32 to index
      %get3A_150 = arith.index_cast %mul3A_74 : i32 to index
      %get3A_151 = tpu.vector_load %arg7[%get3A_149, %get3A_150] {strides = array<i32>} : memref<32x1024xf32, #tpu.memory_space<vmem>>, vector<1x16xf32>,
      %get3A_152 = vector.shape_cast %get3A_151 : vector<1x16xf32> to vector<16xf32>
      %get3A_153 = arith.constant 11 : i32
      %get3A_154 = arith.index_cast %get3A_153 : i32 to index
      %get3A_155 = arith.index_cast %mul3A_74 : i32 to index
      %get3A_156 = tpu.vector_load %arg7[%get3A_154, %get3A_155] {strides = array<i32>} : memref<32x1024xf32, #tpu.memory_space<vmem>>, vector<1x16xf32>,
      %get3A_157 = vector.shape_cast %get3A_156 : vector<1x16xf32> to vector<16xf32>
      %add3A_158 = arith.addf %get3A_152, %get3A_157 : vector<16xf32>
      %add3A_159 = arith.addf %add3A_147, %add3A_158 : vector<16xf32>
      %mul3A_160 = arith.constant 2.500000e-01 : f32
      %mul3A_161 = vector.broadcast %mul3A_160 : f32 to vector<16xf32>
      %mul3A_162 = arith.mulf %add3A_159, %mul3A_161 : vector<16xf32>
      %swap3A_163 = arith.constant 2 : i32
      %swap3A_164 = arith.index_cast %swap3A_163 : i32 to index
      %swap3A_165 = arith.index_cast %mul3A_74 : i32 to index
      %swap3A_166 = tpu.vector_load %arg9[%swap3A_164, %swap3A_165] {strides = array<i32>} : memref<8x1024xf32, #tpu.memory_space<vmem>>, vector<1x16xf32>,
      %swap3A_167 = vector.shape_cast %swap3A_166 : vector<1x16xf32> to vector<16xf32>
      %swap3A_168 = vector.shape_cast %mul3A_162 : vector<16xf32> to vector<1x16xf32>
      tpu.vector_store %arg9[%swap3A_164, %swap3A_165], %swap3A_168 {strides = array<i32>} : memref<8x1024xf32, #tpu.memory_space<vmem>>, vector<1x16xf32>,
      %get3A_169 = arith.constant 12 : i32
      %get3A_170 = arith.index_cast %get3A_169 : i32 to index
      %get3A_171 = arith.index_cast %mul3A_74 : i32 to index
      %get3A_172 = tpu.vector_load %arg7[%get3A_170, %get3A_171] {strides = array<i32>} : memref<32x1024xf32, #tpu.memory_space<vmem>>, vector<1x16xf32>,
      %get3A_173 = vector.shape_cast %get3A_172 : vector<1x16xf32> to vector<16xf32>
      %get3A_174 = arith.constant 13 : i32
      %get3A_175 = arith.index_cast %get3A_174 : i32 to index
      %get3A_176 = arith.index_cast %mul3A_74 : i32 to index
      %get3A_177 = tpu.vector_load %arg7[%get3A_175, %get3A_176] {strides = array<i32>} : memref<32x1024xf32, #tpu.memory_space<vmem>>, vector<1x16xf32>,
      %get3A_178 = vector.shape_cast %get3A_177 : vector<1x16xf32> to vector<16xf32>
      %add3A_179 = arith.addf %get3A_173, %get3A_178 : vector<16xf32>
      %get3A_180 = arith.constant 14 : i32
      %get3A_181 = arith.index_cast %get3A_180 : i32 to index
      %get3A_182 = arith.index_cast %mul3A_74 : i32 to index
      %get3A_183 = tpu.vector_load %arg7[%get3A_181, %get3A_182] {strides = array<i32>} : memref<32x1024xf32, #tpu.memory_space<vmem>>, vector<1x16xf32>,
      %get3A_184 = vector.shape_cast %get3A_183 : vector<1x16xf32> to vector<16xf32>
      %get3A_185 = arith.constant 15 : i32
      %get3A_186 = arith.index_cast %get3A_185 : i32 to index
      %get3A_187 = arith.index_cast %mul3A_74 : i32 to index
      %get3A_188 = tpu.vector_load %arg7[%get3A_186, %get3A_187] {strides = array<i32>} : memref<32x1024xf32, #tpu.memory_space<vmem>>, vector<1x16xf32>,
      %get3A_189 = vector.shape_cast %get3A_188 : vector<1x16xf32> to vector<16xf32>
      %add3A_190 = arith.addf %get3A_184, %get3A_189 : vector<16xf32>
      %add3A_191 = arith.addf %add3A_179, %add3A_190 : vector<16xf32>
      %mul3A_192 = arith.constant 2.500000e-01 : f32
      %mul3A_193 = vector.broadcast %mul3A_192 : f32 to vector<16xf32>
      %mul3A_194 = arith.mulf %add3A_191, %mul3A_193 : vector<16xf32>
      %swap3A_195 = arith.constant 3 : i32
      %swap3A_196 = arith.index_cast %swap3A_195 : i32 to index
      %swap3A_197 = arith.index_cast %mul3A_74 : i32 to index
      %swap3A_198 = tpu.vector_load %arg9[%swap3A_196, %swap3A_197] {strides = array<i32>} : memref<8x1024xf32, #tpu.memory_space<vmem>>, vector<1x16xf32>,
      %swap3A_199 = vector.shape_cast %swap3A_198 : vector<1x16xf32> to vector<16xf32>
      %swap3A_200 = vector.shape_cast %mul3A_194 : vector<16xf32> to vector<1x16xf32>
      tpu.vector_store %arg9[%swap3A_196, %swap3A_197], %swap3A_200 {strides = array<i32>} : memref<8x1024xf32, #tpu.memory_space<vmem>>, vector<1x16xf32>,
      %get3A_201 = arith.constant 16 : i32
      %get3A_202 = arith.index_cast %get3A_201 : i32 to index
      %get3A_203 = arith.index_cast %mul3A_74 : i32 to index
      %get3A_204 = tpu.vector_load %arg7[%get3A_202, %get3A_203] {strides = array<i32>} : memref<32x1024xf32, #tpu.memory_space<vmem>>, vector<1x16xf32>,
      %get3A_205 = vector.shape_cast %get3A_204 : vector<1x16xf32> to vector<16xf32>
      %get3A_206 = arith.constant 17 : i32
      %get3A_207 = arith.index_cast %get3A_206 : i32 to index
      %get3A_208 = arith.index_cast %mul3A_74 : i32 to index
      %get3A_209 = tpu.vector_load %arg7[%get3A_207, %get3A_208] {strides = array<i32>} : memref<32x1024xf32, #tpu.memory_space<vmem>>, vector<1x16xf32>,
      %get3A_210 = vector.shape_cast %get3A_209 : vector<1x16xf32> to vector<16xf32>
      %add3A_211 = arith.addf %get3A_205, %get3A_210 : vector<16xf32>
      %get3A_212 = arith.constant 18 : i32
      %get3A_213 = arith.index_cast %get3A_212 : i32 to index
      %get3A_214 = arith.index_cast %mul3A_74 : i32 to index
      %get3A_215 = tpu.vector_load %arg7[%get3A_213, %get3A_214] {strides = array<i32>} : memref<32x1024xf32, #tpu.memory_space<vmem>>, vector<1x16xf32>,
      %get3A_216 = vector.shape_cast %get3A_215 : vector<1x16xf32> to vector<16xf32>
      %get3A_217 = arith.constant 19 : i32
      %get3A_218 = arith.index_cast %get3A_217 : i32 to index
      %get3A_219 = arith.index_cast %mul3A_74 : i32 to index
      %get3A_220 = tpu.vector_load %arg7[%get3A_218, %get3A_219] {strides = array<i32>} : memref<32x1024xf32, #tpu.memory_space<vmem>>, vector<1x16xf32>,
      %get3A_221 = vector.shape_cast %get3A_220 : vector<1x16xf32> to vector<16xf32>
      %add3A_222 = arith.addf %get3A_216, %get3A_221 : vector<16xf32>
      %add3A_223 = arith.addf %add3A_211, %add3A_222 : vector<16xf32>
      %mul3A_224 = arith.constant 2.500000e-01 : f32
      %mul3A_225 = vector.broadcast %mul3A_224 : f32 to vector<16xf32>
      %mul3A_226 = arith.mulf %add3A_223, %mul3A_225 : vector<16xf32>
      %swap3A_227 = arith.constant 4 : i32
      %swap3A_228 = arith.index_cast %swap3A_227 : i32 to index
      %swap3A_229 = arith.index_cast %mul3A_74 : i32 to index
      %swap3A_230 = tpu.vector_load %arg9[%swap3A_228, %swap3A_229] {strides = array<i32>} : memref<8x1024xf32, #tpu.memory_space<vmem>>, vector<1x16xf32>,
      %swap3A_231 = vector.shape_cast %swap3A_230 : vector<1x16xf32> to vector<16xf32>
      %swap3A_232 = vector.shape_cast %mul3A_226 : vector<16xf32> to vector<1x16xf32>
      tpu.vector_store %arg9[%swap3A_228, %swap3A_229], %swap3A_232 {strides = array<i32>} : memref<8x1024xf32, #tpu.memory_space<vmem>>, vector<1x16xf32>,
      %get3A_233 = arith.constant 20 : i32
      %get3A_234 = arith.index_cast %get3A_233 : i32 to index
      %get3A_235 = arith.index_cast %mul3A_74 : i32 to index
      %get3A_236 = tpu.vector_load %arg7[%get3A_234, %get3A_235] {strides = array<i32>} : memref<32x1024xf32, #tpu.memory_space<vmem>>, vector<1x16xf32>,
      %get3A_237 = vector.shape_cast %get3A_236 : vector<1x16xf32> to vector<16xf32>
      %get3A_238 = arith.constant 21 : i32
      %get3A_239 = arith.index_cast %get3A_238 : i32 to index
      %get3A_240 = arith.index_cast %mul3A_74 : i32 to index
      %get3A_241 = tpu.vector_load %arg7[%get3A_239, %get3A_240] {strides = array<i32>} : memref<32x1024xf32, #tpu.memory_space<vmem>>, vector<1x16xf32>,
      %get3A_242 = vector.shape_cast %get3A_241 : vector<1x16xf32> to vector<16xf32>
      %add3A_243 = arith.addf %get3A_237, %get3A_242 : vector<16xf32>
      %get3A_244 = arith.constant 22 : i32
      %get3A_245 = arith.index_cast %get3A_244 : i32 to index
      %get3A_246 = arith.index_cast %mul3A_74 : i32 to index
      %get3A_247 = tpu.vector_load %arg7[%get3A_245, %get3A_246] {strides = array<i32>} : memref<32x1024xf32, #tpu.memory_space<vmem>>, vector<1x16xf32>,
      %get3A_248 = vector.shape_cast %get3A_247 : vector<1x16xf32> to vector<16xf32>
      %get3A_249 = arith.constant 23 : i32
      %get3A_250 = arith.index_cast %get3A_249 : i32 to index
      %get3A_251 = arith.index_cast %mul3A_74 : i32 to index
      %get3A_252 = tpu.vector_load %arg7[%get3A_250, %get3A_251] {strides = array<i32>} : memref<32x1024xf32, #tpu.memory_space<vmem>>, vector<1x16xf32>,
      %get3A_253 = vector.shape_cast %get3A_252 : vector<1x16xf32> to vector<16xf32>
      %add3A_254 = arith.addf %get3A_248, %get3A_253 : vector<16xf32>
      %add3A_255 = arith.addf %add3A_243, %add3A_254 : vector<16xf32>
      %mul3A_256 = arith.constant 2.500000e-01 : f32
      %mul3A_257 = vector.broadcast %mul3A_256 : f32 to vector<16xf32>
      %mul3A_258 = arith.mulf %add3A_255, %mul3A_257 : vector<16xf32>
      %swap3A_259 = arith.constant 5 : i32
      %swap3A_260 = arith.index_cast %swap3A_259 : i32 to index
      %swap3A_261 = arith.index_cast %mul3A_74 : i32 to index
      %swap3A_262 = tpu.vector_load %arg9[%swap3A_260, %swap3A_261] {strides = array<i32>} : memref<8x1024xf32, #tpu.memory_space<vmem>>, vector<1x16xf32>,
      %swap3A_263 = vector.shape_cast %swap3A_262 : vector<1x16xf32> to vector<16xf32>
      %swap3A_264 = vector.shape_cast %mul3A_258 : vector<16xf32> to vector<1x16xf32>
      tpu.vector_store %arg9[%swap3A_260, %swap3A_261], %swap3A_264 {strides = array<i32>} : memref<8x1024xf32, #tpu.memory_space<vmem>>, vector<1x16xf32>,
      %get3A_265 = arith.constant 24 : i32
      %get3A_266 = arith.index_cast %get3A_265 : i32 to index
      %get3A_267 = arith.index_cast %mul3A_74 : i32 to index
      %get3A_268 = tpu.vector_load %arg7[%get3A_266, %get3A_267] {strides = array<i32>} : memref<32x1024xf32, #tpu.memory_space<vmem>>, vector<1x16xf32>,
      %get3A_269 = vector.shape_cast %get3A_268 : vector<1x16xf32> to vector<16xf32>
      %get3A_270 = arith.constant 25 : i32
      %get3A_271 = arith.index_cast %get3A_270 : i32 to index
      %get3A_272 = arith.index_cast %mul3A_74 : i32 to index
      %get3A_273 = tpu.vector_load %arg7[%get3A_271, %get3A_272] {strides = array<i32>} : memref<32x1024xf32, #tpu.memory_space<vmem>>, vector<1x16xf32>,
      %get3A_274 = vector.shape_cast %get3A_273 : vector<1x16xf32> to vector<16xf32>
      %add3A_275 = arith.addf %get3A_269, %get3A_274 : vector<16xf32>
      %get3A_276 = arith.constant 26 : i32
      %get3A_277 = arith.index_cast %get3A_276 : i32 to index
      %get3A_278 = arith.index_cast %mul3A_74 : i32 to index
      %get3A_279 = tpu.vector_load %arg7[%get3A_277, %get3A_278] {strides = array<i32>} : memref<32x1024xf32, #tpu.memory_space<vmem>>, vector<1x16xf32>,
      %get3A_280 = vector.shape_cast %get3A_279 : vector<1x16xf32> to vector<16xf32>
      %get3A_281 = arith.constant 27 : i32
      %get3A_282 = arith.index_cast %get3A_281 : i32 to index
      %get3A_283 = arith.index_cast %mul3A_74 : i32 to index
      %get3A_284 = tpu.vector_load %arg7[%get3A_282, %get3A_283] {strides = array<i32>} : memref<32x1024xf32, #tpu.memory_space<vmem>>, vector<1x16xf32>,
      %get3A_285 = vector.shape_cast %get3A_284 : vector<1x16xf32> to vector<16xf32>
      %add3A_286 = arith.addf %get3A_280, %get3A_285 : vector<16xf32>
      %add3A_287 = arith.addf %add3A_275, %add3A_286 : vector<16xf32>
      %mul3A_288 = arith.constant 2.500000e-01 : f32
      %mul3A_289 = vector.broadcast %mul3A_288 : f32 to vector<16xf32>
      %mul3A_290 = arith.mulf %add3A_287, %mul3A_289 : vector<16xf32>
      %swap3A_291 = arith.constant 6 : i32
      %swap3A_292 = arith.index_cast %swap3A_291 : i32 to index
      %swap3A_293 = arith.index_cast %mul3A_74 : i32 to index
      %swap3A_294 = tpu.vector_load %arg9[%swap3A_292, %swap3A_293] {strides = array<i32>} : memref<8x1024xf32, #tpu.memory_space<vmem>>, vector<1x16xf32>,
      %swap3A_295 = vector.shape_cast %swap3A_294 : vector<1x16xf32> to vector<16xf32>
      %swap3A_296 = vector.shape_cast %mul3A_290 : vector<16xf32> to vector<1x16xf32>
      tpu.vector_store %arg9[%swap3A_292, %swap3A_293], %swap3A_296 {strides = array<i32>} : memref<8x1024xf32, #tpu.memory_space<vmem>>, vector<1x16xf32>,
      %get3A_297 = arith.constant 28 : i32
      %get3A_298 = arith.index_cast %get3A_297 : i32 to index
      %get3A_299 = arith.index_cast %mul3A_74 : i32 to index
      %get3A_300 = tpu.vector_load %arg7[%get3A_298, %get3A_299] {strides = array<i32>} : memref<32x1024xf32, #tpu.memory_space<vmem>>, vector<1x16xf32>,
      %get3A_301 = vector.shape_cast %get3A_300 : vector<1x16xf32> to vector<16xf32>
      %get3A_302 = arith.constant 29 : i32
      %get3A_303 = arith.index_cast %get3A_302 : i32 to index
      %get3A_304 = arith.index_cast %mul3A_74 : i32 to index
      %get3A_305 = tpu.vector_load %arg7[%get3A_303, %get3A_304] {strides = array<i32>} : memref<32x1024xf32, #tpu.memory_space<vmem>>, vector<1x16xf32>,
      %get3A_306 = vector.shape_cast %get3A_305 : vector<1x16xf32> to vector<16xf32>
      %add3A_307 = arith.addf %get3A_301, %get3A_306 : vector<16xf32>
      %get3A_308 = arith.constant 30 : i32
      %get3A_309 = arith.index_cast %get3A_308 : i32 to index
      %get3A_310 = arith.index_cast %mul3A_74 : i32 to index
      %get3A_311 = tpu.vector_load %arg7[%get3A_309, %get3A_310] {strides = array<i32>} : memref<32x1024xf32, #tpu.memory_space<vmem>>, vector<1x16xf32>,
      %get3A_312 = vector.shape_cast %get3A_311 : vector<1x16xf32> to vector<16xf32>
      %get3A_313 = arith.constant 31 : i32
      %get3A_314 = arith.index_cast %get3A_313 : i32 to index
      %get3A_315 = arith.index_cast %mul3A_74 : i32 to index
      %get3A_316 = tpu.vector_load %arg7[%get3A_314, %get3A_315] {strides = array<i32>} : memref<32x1024xf32, #tpu.memory_space<vmem>>, vector<1x16xf32>,
      %get3A_317 = vector.shape_cast %get3A_316 : vector<1x16xf32> to vector<16xf32>
      %add3A_318 = arith.addf %get3A_312, %get3A_317 : vector<16xf32>
      %add3A_319 = arith.addf %add3A_307, %add3A_318 : vector<16xf32>
      %mul3A_320 = arith.constant 2.500000e-01 : f32
      %mul3A_321 = vector.broadcast %mul3A_320 : f32 to vector<16xf32>
      %mul3A_322 = arith.mulf %add3A_319, %mul3A_321 : vector<16xf32>
      %swap3A_323 = arith.constant 7 : i32
      %swap3A_324 = arith.index_cast %swap3A_323 : i32 to index
      %swap3A_325 = arith.index_cast %mul3A_74 : i32 to index
      %swap3A_326 = tpu.vector_load %arg9[%swap3A_324, %swap3A_325] {strides = array<i32>} : memref<8x1024xf32, #tpu.memory_space<vmem>>, vector<1x16xf32>,
      %swap3A_327 = vector.shape_cast %swap3A_326 : vector<1x16xf32> to vector<16xf32>
      %swap3A_328 = vector.shape_cast %mul3A_322 : vector<16xf32> to vector<1x16xf32>
      tpu.vector_store %arg9[%swap3A_324, %swap3A_325], %swap3A_328 {strides = array<i32>} : memref<8x1024xf32, #tpu.memory_space<vmem>>, vector<1x16xf32>,
    }
    %scan3A_22 = arith.constant 64 : i32
    %add3A_23 = arith.constant 0 : i32
    %add3A_24 = arith.addi %mul3A_2, %add3A_23 : i32
    "tpu.region"() ({
      %run_scoped3A = tpu.sem_alloc : memref<!tpu.dma_semaphore, #tpu.memory_space<semaphore_mem>>
      %dma_start3A_72 = arith.constant 0 : i32
      %dma_start3A_73 = tpu.memref_slice %arg4[%add3A_24, %dma_start3A_72] : memref<1024x1024xf32, #tpu.memory_space<hbm>> -> memref<8x1024xf32, #tpu.memory_space<hbm>>
      %dma_start3A_74 = arith.constant 0 : i32
      %dma_start3A_75 = tpu.memref_slice %arg4[%add3A_24, %dma_start3A_74] : memref<1024x1024xf32, #tpu.memory_space<hbm>> -> memref<8x1024xf32, #tpu.memory_space<hbm>>
      tpu.enqueue_dma source(%arg9 : memref<8x1024xf32, #tpu.memory_space<vmem>>) target(%dma_start3A_75 : memref<8x1024xf32, #tpu.memory_space<hbm>>) target_semaphore(%run_scoped3A : memref<!tpu.dma_semaphore, #tpu.memory_space<semaphore_mem>>)
      %dma_wait3A_76 = arith.constant 0 : i32
      %dma_wait3A_77 = tpu.memref_slice %arg4[%add3A_24, %dma_wait3A_76] : memref<1024x1024xf32, #tpu.memory_space<hbm>> -> memref<8x1024xf32, #tpu.memory_space<hbm>>
      %dma_wait3A_78 = arith.constant 0 : i32
      %dma_wait3A_79 = tpu.memref_slice %arg4[%add3A_24, %dma_wait3A_78] : memref<1024x1024xf32, #tpu.memory_space<hbm>> -> memref<8x1024xf32, #tpu.memory_space<hbm>>
      tpu.wait_dma2 semaphore(%run_scoped3A : memref<!tpu.dma_semaphore, #tpu.memory_space<semaphore_mem>>) src(%arg9 : memref<8x1024xf32, #tpu.memory_space<vmem>>) dst(%dma_wait3A_79 : memref<8x1024xf32, #tpu.memory_space<hbm>>)
      tpu.yield
    }) : () -> ()
    %dma_wait3A_25 = arith.constant 0 : i32
    %dma_wait3A_26 = arith.constant 0 : i32
    %dma_wait3A_27 = tpu.memref_slice %arg2[%dma_wait3A_25, %dma_wait3A_26] : memref<32768x1024xf32, #tpu.memory_space<hbm>> -> memref<32768x1024xf32, #tpu.memory_space<hbm>>
    tpu.wait_indirect_dma semaphore(%arg11 : memref<!tpu.dma_semaphore, #tpu.memory_space<semaphore_mem>>) src(%dma_wait3A_27 : memref<32768x1024xf32, #tpu.memory_space<hbm>>) dst(%arg8 : memref<32x1024xf32, #tpu.memory_space<vmem>>)
    %add3A_28 = arith.constant 16 : i32
    %add3A_29 = arith.addi %mul3A_2, %add3A_28 : i32
    %mul3A_30 = arith.constant 4 : i32
    %mul3A_31 = arith.muli %add3A_29, %mul3A_30 : i32
    "tpu.region"() ({
      %run_scoped3A = tpu.sem_alloc : memref<!tpu.dma_semaphore, #tpu.memory_space<semaphore_mem>>
      %dma_start3A_72 = tpu.memref_slice %arg3[%mul3A_31] : memref<4096xi32, #tpu.memory_space<hbm>> -> memref<32xi32, #tpu.memory_space<hbm>>
      %dma_start3A_73 = tpu.memref_slice %arg3[%mul3A_31] : memref<4096xi32, #tpu.memory_space<hbm>> -> memref<32xi32, #tpu.memory_space<hbm>>
      tpu.enqueue_dma source(%dma_start3A_73 : memref<32xi32, #tpu.memory_space<hbm>>) target(%arg5 : memref<32xi32, #tpu.memory_space<vmem>>) target_semaphore(%run_scoped3A : memref<!tpu.dma_semaphore, #tpu.memory_space<semaphore_mem>>)
      %dma_wait3A_74 = tpu.memref_slice %arg3[%mul3A_31] : memref<4096xi32, #tpu.memory_space<hbm>> -> memref<32xi32, #tpu.memory_space<hbm>>
      %dma_wait3A_75 = tpu.memref_slice %arg3[%mul3A_31] : memref<4096xi32, #tpu.memory_space<hbm>> -> memref<32xi32, #tpu.memory_space<hbm>>
      tpu.wait_dma2 semaphore(%run_scoped3A : memref<!tpu.dma_semaphore, #tpu.memory_space<semaphore_mem>>) src(%dma_wait3A_75 : memref<32xi32, #tpu.memory_space<hbm>>) dst(%arg5 : memref<32xi32, #tpu.memory_space<vmem>>)
      tpu.yield
    }) : () -> ()
    %dma_start3A_32 = arith.constant 0 : i32
    %dma_start3A_33 = arith.constant 0 : i32
    %dma_start3A_34 = tpu.memref_slice %arg2[%dma_start3A_32, %dma_start3A_33] : memref<32768x1024xf32, #tpu.memory_space<hbm>> -> memref<32768x1024xf32, #tpu.memory_space<hbm>>
    tpu.enqueue_indirect_dma source(%dma_start3A_34 : memref<32768x1024xf32, #tpu.memory_space<hbm>>) target(%arg7 : memref<32x1024xf32, #tpu.memory_space<vmem>>) offsets(%arg5 : memref<32xi32, #tpu.memory_space<vmem>>) semaphore(%arg10 : memref<!tpu.dma_semaphore, #tpu.memory_space<semaphore_mem>>)
    %scan3A_35 = arith.constant 0 : i32
    %scan3A_36 = arith.constant 0 : i32
    %scan3A_37 = arith.constant 64 : i32
    %scan3A_38 = arith.addi %scan3A_36, %scan3A_37 : i32
    %scan3A_39 = arith.constant 1 : i32
    scf.for %scan3A_72 = %scan3A_36 to %scan3A_38 step %scan3A_39  : i32 {
      %mul3A_73 = arith.constant 16 : i32
      %mul3A_74 = arith.muli %scan3A_72, %mul3A_73 : i32
      %get3A = arith.constant 0 : i32
      %get3A_75 = arith.index_cast %get3A : i32 to index
      %get3A_76 = arith.index_cast %mul3A_74 : i32 to index
      %get3A_77 = tpu.vector_load %arg8[%get3A_75, %get3A_76] {strides = array<i32>} : memref<32x1024xf32, #tpu.memory_space<vmem>>, vector<1x16xf32>,
      %get3A_78 = vector.shape_cast %get3A_77 : vector<1x16xf32> to vector<16xf32>
      %get3A_79 = arith.constant 1 : i32
      %get3A_80 = arith.index_cast %get3A_79 : i32 to index
      %get3A_81 = arith.index_cast %mul3A_74 : i32 to index
      %get3A_82 = tpu.vector_load %arg8[%get3A_80, %get3A_81] {strides = array<i32>} : memref<32x1024xf32, #tpu.memory_space<vmem>>, vector<1x16xf32>,
      %get3A_83 = vector.shape_cast %get3A_82 : vector<1x16xf32> to vector<16xf32>
      %add3A_84 = arith.addf %get3A_78, %get3A_83 : vector<16xf32>
      %get3A_85 = arith.constant 2 : i32
      %get3A_86 = arith.index_cast %get3A_85 : i32 to index
      %get3A_87 = arith.index_cast %mul3A_74 : i32 to index
      %get3A_88 = tpu.vector_load %arg8[%get3A_86, %get3A_87] {strides = array<i32>} : memref<32x1024xf32, #tpu.memory_space<vmem>>, vector<1x16xf32>,
      %get3A_89 = vector.shape_cast %get3A_88 : vector<1x16xf32> to vector<16xf32>
      %get3A_90 = arith.constant 3 : i32
      %get3A_91 = arith.index_cast %get3A_90 : i32 to index
      %get3A_92 = arith.index_cast %mul3A_74 : i32 to index
      %get3A_93 = tpu.vector_load %arg8[%get3A_91, %get3A_92] {strides = array<i32>} : memref<32x1024xf32, #tpu.memory_space<vmem>>, vector<1x16xf32>,
      %get3A_94 = vector.shape_cast %get3A_93 : vector<1x16xf32> to vector<16xf32>
      %add3A_95 = arith.addf %get3A_89, %get3A_94 : vector<16xf32>
      %add3A_96 = arith.addf %add3A_84, %add3A_95 : vector<16xf32>
      %mul3A_97 = arith.constant 2.500000e-01 : f32
      %mul3A_98 = vector.broadcast %mul3A_97 : f32 to vector<16xf32>
      %mul3A_99 = arith.mulf %add3A_96, %mul3A_98 : vector<16xf32>
      %swap3A = arith.constant 0 : i32
      %swap3A_100 = arith.index_cast %swap3A : i32 to index
      %swap3A_101 = arith.index_cast %mul3A_74 : i32 to index
      %swap3A_102 = tpu.vector_load %arg9[%swap3A_100, %swap3A_101] {strides = array<i32>} : memref<8x1024xf32, #tpu.memory_space<vmem>>, vector<1x16xf32>,
      %swap3A_103 = vector.shape_cast %swap3A_102 : vector<1x16xf32> to vector<16xf32>
      %swap3A_104 = vector.shape_cast %mul3A_99 : vector<16xf32> to vector<1x16xf32>
      tpu.vector_store %arg9[%swap3A_100, %swap3A_101], %swap3A_104 {strides = array<i32>} : memref<8x1024xf32, #tpu.memory_space<vmem>>, vector<1x16xf32>,
      %get3A_105 = arith.constant 4 : i32
      %get3A_106 = arith.index_cast %get3A_105 : i32 to index
      %get3A_107 = arith.index_cast %mul3A_74 : i32 to index
      %get3A_108 = tpu.vector_load %arg8[%get3A_106, %get3A_107] {strides = array<i32>} : memref<32x1024xf32, #tpu.memory_space<vmem>>, vector<1x16xf32>,
      %get3A_109 = vector.shape_cast %get3A_108 : vector<1x16xf32> to vector<16xf32>
      %get3A_110 = arith.constant 5 : i32
      %get3A_111 = arith.index_cast %get3A_110 : i32 to index
      %get3A_112 = arith.index_cast %mul3A_74 : i32 to index
      %get3A_113 = tpu.vector_load %arg8[%get3A_111, %get3A_112] {strides = array<i32>} : memref<32x1024xf32, #tpu.memory_space<vmem>>, vector<1x16xf32>,
      %get3A_114 = vector.shape_cast %get3A_113 : vector<1x16xf32> to vector<16xf32>
      %add3A_115 = arith.addf %get3A_109, %get3A_114 : vector<16xf32>
      %get3A_116 = arith.constant 6 : i32
      %get3A_117 = arith.index_cast %get3A_116 : i32 to index
      %get3A_118 = arith.index_cast %mul3A_74 : i32 to index
      %get3A_119 = tpu.vector_load %arg8[%get3A_117, %get3A_118] {strides = array<i32>} : memref<32x1024xf32, #tpu.memory_space<vmem>>, vector<1x16xf32>,
      %get3A_120 = vector.shape_cast %get3A_119 : vector<1x16xf32> to vector<16xf32>
      %get3A_121 = arith.constant 7 : i32
      %get3A_122 = arith.index_cast %get3A_121 : i32 to index
      %get3A_123 = arith.index_cast %mul3A_74 : i32 to index
      %get3A_124 = tpu.vector_load %arg8[%get3A_122, %get3A_123] {strides = array<i32>} : memref<32x1024xf32, #tpu.memory_space<vmem>>, vector<1x16xf32>,
      %get3A_125 = vector.shape_cast %get3A_124 : vector<1x16xf32> to vector<16xf32>
      %add3A_126 = arith.addf %get3A_120, %get3A_125 : vector<16xf32>
      %add3A_127 = arith.addf %add3A_115, %add3A_126 : vector<16xf32>
      %mul3A_128 = arith.constant 2.500000e-01 : f32
      %mul3A_129 = vector.broadcast %mul3A_128 : f32 to vector<16xf32>
      %mul3A_130 = arith.mulf %add3A_127, %mul3A_129 : vector<16xf32>
      %swap3A_131 = arith.constant 1 : i32
      %swap3A_132 = arith.index_cast %swap3A_131 : i32 to index
      %swap3A_133 = arith.index_cast %mul3A_74 : i32 to index
      %swap3A_134 = tpu.vector_load %arg9[%swap3A_132, %swap3A_133] {strides = array<i32>} : memref<8x1024xf32, #tpu.memory_space<vmem>>, vector<1x16xf32>,
      %swap3A_135 = vector.shape_cast %swap3A_134 : vector<1x16xf32> to vector<16xf32>
      %swap3A_136 = vector.shape_cast %mul3A_130 : vector<16xf32> to vector<1x16xf32>
      tpu.vector_store %arg9[%swap3A_132, %swap3A_133], %swap3A_136 {strides = array<i32>} : memref<8x1024xf32, #tpu.memory_space<vmem>>, vector<1x16xf32>,
      %get3A_137 = arith.constant 8 : i32
      %get3A_138 = arith.index_cast %get3A_137 : i32 to index
      %get3A_139 = arith.index_cast %mul3A_74 : i32 to index
      %get3A_140 = tpu.vector_load %arg8[%get3A_138, %get3A_139] {strides = array<i32>} : memref<32x1024xf32, #tpu.memory_space<vmem>>, vector<1x16xf32>,
      %get3A_141 = vector.shape_cast %get3A_140 : vector<1x16xf32> to vector<16xf32>
      %get3A_142 = arith.constant 9 : i32
      %get3A_143 = arith.index_cast %get3A_142 : i32 to index
      %get3A_144 = arith.index_cast %mul3A_74 : i32 to index
      %get3A_145 = tpu.vector_load %arg8[%get3A_143, %get3A_144] {strides = array<i32>} : memref<32x1024xf32, #tpu.memory_space<vmem>>, vector<1x16xf32>,
      %get3A_146 = vector.shape_cast %get3A_145 : vector<1x16xf32> to vector<16xf32>
      %add3A_147 = arith.addf %get3A_141, %get3A_146 : vector<16xf32>
      %get3A_148 = arith.constant 10 : i32
      %get3A_149 = arith.index_cast %get3A_148 : i32 to index
      %get3A_150 = arith.index_cast %mul3A_74 : i32 to index
      %get3A_151 = tpu.vector_load %arg8[%get3A_149, %get3A_150] {strides = array<i32>} : memref<32x1024xf32, #tpu.memory_space<vmem>>, vector<1x16xf32>,
      %get3A_152 = vector.shape_cast %get3A_151 : vector<1x16xf32> to vector<16xf32>
      %get3A_153 = arith.constant 11 : i32
      %get3A_154 = arith.index_cast %get3A_153 : i32 to index
      %get3A_155 = arith.index_cast %mul3A_74 : i32 to index
      %get3A_156 = tpu.vector_load %arg8[%get3A_154, %get3A_155] {strides = array<i32>} : memref<32x1024xf32, #tpu.memory_space<vmem>>, vector<1x16xf32>,
      %get3A_157 = vector.shape_cast %get3A_156 : vector<1x16xf32> to vector<16xf32>
      %add3A_158 = arith.addf %get3A_152, %get3A_157 : vector<16xf32>
      %add3A_159 = arith.addf %add3A_147, %add3A_158 : vector<16xf32>
      %mul3A_160 = arith.constant 2.500000e-01 : f32
      %mul3A_161 = vector.broadcast %mul3A_160 : f32 to vector<16xf32>
      %mul3A_162 = arith.mulf %add3A_159, %mul3A_161 : vector<16xf32>
      %swap3A_163 = arith.constant 2 : i32
      %swap3A_164 = arith.index_cast %swap3A_163 : i32 to index
      %swap3A_165 = arith.index_cast %mul3A_74 : i32 to index
      %swap3A_166 = tpu.vector_load %arg9[%swap3A_164, %swap3A_165] {strides = array<i32>} : memref<8x1024xf32, #tpu.memory_space<vmem>>, vector<1x16xf32>,
      %swap3A_167 = vector.shape_cast %swap3A_166 : vector<1x16xf32> to vector<16xf32>
      %swap3A_168 = vector.shape_cast %mul3A_162 : vector<16xf32> to vector<1x16xf32>
      tpu.vector_store %arg9[%swap3A_164, %swap3A_165], %swap3A_168 {strides = array<i32>} : memref<8x1024xf32, #tpu.memory_space<vmem>>, vector<1x16xf32>,
      %get3A_169 = arith.constant 12 : i32
      %get3A_170 = arith.index_cast %get3A_169 : i32 to index
      %get3A_171 = arith.index_cast %mul3A_74 : i32 to index
      %get3A_172 = tpu.vector_load %arg8[%get3A_170, %get3A_171] {strides = array<i32>} : memref<32x1024xf32, #tpu.memory_space<vmem>>, vector<1x16xf32>,
      %get3A_173 = vector.shape_cast %get3A_172 : vector<1x16xf32> to vector<16xf32>
      %get3A_174 = arith.constant 13 : i32
      %get3A_175 = arith.index_cast %get3A_174 : i32 to index
      %get3A_176 = arith.index_cast %mul3A_74 : i32 to index
      %get3A_177 = tpu.vector_load %arg8[%get3A_175, %get3A_176] {strides = array<i32>} : memref<32x1024xf32, #tpu.memory_space<vmem>>, vector<1x16xf32>,
      %get3A_178 = vector.shape_cast %get3A_177 : vector<1x16xf32> to vector<16xf32>
      %add3A_179 = arith.addf %get3A_173, %get3A_178 : vector<16xf32>
      %get3A_180 = arith.constant 14 : i32
      %get3A_181 = arith.index_cast %get3A_180 : i32 to index
      %get3A_182 = arith.index_cast %mul3A_74 : i32 to index
      %get3A_183 = tpu.vector_load %arg8[%get3A_181, %get3A_182] {strides = array<i32>} : memref<32x1024xf32, #tpu.memory_space<vmem>>, vector<1x16xf32>,
      %get3A_184 = vector.shape_cast %get3A_183 : vector<1x16xf32> to vector<16xf32>
      %get3A_185 = arith.constant 15 : i32
      %get3A_186 = arith.index_cast %get3A_185 : i32 to index
      %get3A_187 = arith.index_cast %mul3A_74 : i32 to index
      %get3A_188 = tpu.vector_load %arg8[%get3A_186, %get3A_187] {strides = array<i32>} : memref<32x1024xf32, #tpu.memory_space<vmem>>, vector<1x16xf32>,
      %get3A_189 = vector.shape_cast %get3A_188 : vector<1x16xf32> to vector<16xf32>
      %add3A_190 = arith.addf %get3A_184, %get3A_189 : vector<16xf32>
      %add3A_191 = arith.addf %add3A_179, %add3A_190 : vector<16xf32>
      %mul3A_192 = arith.constant 2.500000e-01 : f32
      %mul3A_193 = vector.broadcast %mul3A_192 : f32 to vector<16xf32>
      %mul3A_194 = arith.mulf %add3A_191, %mul3A_193 : vector<16xf32>
      %swap3A_195 = arith.constant 3 : i32
      %swap3A_196 = arith.index_cast %swap3A_195 : i32 to index
      %swap3A_197 = arith.index_cast %mul3A_74 : i32 to index
      %swap3A_198 = tpu.vector_load %arg9[%swap3A_196, %swap3A_197] {strides = array<i32>} : memref<8x1024xf32, #tpu.memory_space<vmem>>, vector<1x16xf32>,
      %swap3A_199 = vector.shape_cast %swap3A_198 : vector<1x16xf32> to vector<16xf32>
      %swap3A_200 = vector.shape_cast %mul3A_194 : vector<16xf32> to vector<1x16xf32>
      tpu.vector_store %arg9[%swap3A_196, %swap3A_197], %swap3A_200 {strides = array<i32>} : memref<8x1024xf32, #tpu.memory_space<vmem>>, vector<1x16xf32>,
      %get3A_201 = arith.constant 16 : i32
      %get3A_202 = arith.index_cast %get3A_201 : i32 to index
      %get3A_203 = arith.index_cast %mul3A_74 : i32 to index
      %get3A_204 = tpu.vector_load %arg8[%get3A_202, %get3A_203] {strides = array<i32>} : memref<32x1024xf32, #tpu.memory_space<vmem>>, vector<1x16xf32>,
      %get3A_205 = vector.shape_cast %get3A_204 : vector<1x16xf32> to vector<16xf32>
      %get3A_206 = arith.constant 17 : i32
      %get3A_207 = arith.index_cast %get3A_206 : i32 to index
      %get3A_208 = arith.index_cast %mul3A_74 : i32 to index
      %get3A_209 = tpu.vector_load %arg8[%get3A_207, %get3A_208] {strides = array<i32>} : memref<32x1024xf32, #tpu.memory_space<vmem>>, vector<1x16xf32>,
      %get3A_210 = vector.shape_cast %get3A_209 : vector<1x16xf32> to vector<16xf32>
      %add3A_211 = arith.addf %get3A_205, %get3A_210 : vector<16xf32>
      %get3A_212 = arith.constant 18 : i32
      %get3A_213 = arith.index_cast %get3A_212 : i32 to index
      %get3A_214 = arith.index_cast %mul3A_74 : i32 to index
      %get3A_215 = tpu.vector_load %arg8[%get3A_213, %get3A_214] {strides = array<i32>} : memref<32x1024xf32, #tpu.memory_space<vmem>>, vector<1x16xf32>,
      %get3A_216 = vector.shape_cast %get3A_215 : vector<1x16xf32> to vector<16xf32>
      %get3A_217 = arith.constant 19 : i32
      %get3A_218 = arith.index_cast %get3A_217 : i32 to index
      %get3A_219 = arith.index_cast %mul3A_74 : i32 to index
      %get3A_220 = tpu.vector_load %arg8[%get3A_218, %get3A_219] {strides = array<i32>} : memref<32x1024xf32, #tpu.memory_space<vmem>>, vector<1x16xf32>,
      %get3A_221 = vector.shape_cast %get3A_220 : vector<1x16xf32> to vector<16xf32>
      %add3A_222 = arith.addf %get3A_216, %get3A_221 : vector<16xf32>
      %add3A_223 = arith.addf %add3A_211, %add3A_222 : vector<16xf32>
      %mul3A_224 = arith.constant 2.500000e-01 : f32
      %mul3A_225 = vector.broadcast %mul3A_224 : f32 to vector<16xf32>
      %mul3A_226 = arith.mulf %add3A_223, %mul3A_225 : vector<16xf32>
      %swap3A_227 = arith.constant 4 : i32
      %swap3A_228 = arith.index_cast %swap3A_227 : i32 to index
      %swap3A_229 = arith.index_cast %mul3A_74 : i32 to index
      %swap3A_230 = tpu.vector_load %arg9[%swap3A_228, %swap3A_229] {strides = array<i32>} : memref<8x1024xf32, #tpu.memory_space<vmem>>, vector<1x16xf32>,
      %swap3A_231 = vector.shape_cast %swap3A_230 : vector<1x16xf32> to vector<16xf32>
      %swap3A_232 = vector.shape_cast %mul3A_226 : vector<16xf32> to vector<1x16xf32>
      tpu.vector_store %arg9[%swap3A_228, %swap3A_229], %swap3A_232 {strides = array<i32>} : memref<8x1024xf32, #tpu.memory_space<vmem>>, vector<1x16xf32>,
      %get3A_233 = arith.constant 20 : i32
      %get3A_234 = arith.index_cast %get3A_233 : i32 to index
      %get3A_235 = arith.index_cast %mul3A_74 : i32 to index
      %get3A_236 = tpu.vector_load %arg8[%get3A_234, %get3A_235] {strides = array<i32>} : memref<32x1024xf32, #tpu.memory_space<vmem>>, vector<1x16xf32>,
      %get3A_237 = vector.shape_cast %get3A_236 : vector<1x16xf32> to vector<16xf32>
      %get3A_238 = arith.constant 21 : i32
      %get3A_239 = arith.index_cast %get3A_238 : i32 to index
      %get3A_240 = arith.index_cast %mul3A_74 : i32 to index
      %get3A_241 = tpu.vector_load %arg8[%get3A_239, %get3A_240] {strides = array<i32>} : memref<32x1024xf32, #tpu.memory_space<vmem>>, vector<1x16xf32>,
      %get3A_242 = vector.shape_cast %get3A_241 : vector<1x16xf32> to vector<16xf32>
      %add3A_243 = arith.addf %get3A_237, %get3A_242 : vector<16xf32>
      %get3A_244 = arith.constant 22 : i32
      %get3A_245 = arith.index_cast %get3A_244 : i32 to index
      %get3A_246 = arith.index_cast %mul3A_74 : i32 to index
      %get3A_247 = tpu.vector_load %arg8[%get3A_245, %get3A_246] {strides = array<i32>} : memref<32x1024xf32, #tpu.memory_space<vmem>>, vector<1x16xf32>,
      %get3A_248 = vector.shape_cast %get3A_247 : vector<1x16xf32> to vector<16xf32>
      %get3A_249 = arith.constant 23 : i32
      %get3A_250 = arith.index_cast %get3A_249 : i32 to index
      %get3A_251 = arith.index_cast %mul3A_74 : i32 to index
      %get3A_252 = tpu.vector_load %arg8[%get3A_250, %get3A_251] {strides = array<i32>} : memref<32x1024xf32, #tpu.memory_space<vmem>>, vector<1x16xf32>,
      %get3A_253 = vector.shape_cast %get3A_252 : vector<1x16xf32> to vector<16xf32>
      %add3A_254 = arith.addf %get3A_248, %get3A_253 : vector<16xf32>
      %add3A_255 = arith.addf %add3A_243, %add3A_254 : vector<16xf32>
      %mul3A_256 = arith.constant 2.500000e-01 : f32
      %mul3A_257 = vector.broadcast %mul3A_256 : f32 to vector<16xf32>
      %mul3A_258 = arith.mulf %add3A_255, %mul3A_257 : vector<16xf32>
      %swap3A_259 = arith.constant 5 : i32
      %swap3A_260 = arith.index_cast %swap3A_259 : i32 to index
      %swap3A_261 = arith.index_cast %mul3A_74 : i32 to index
      %swap3A_262 = tpu.vector_load %arg9[%swap3A_260, %swap3A_261] {strides = array<i32>} : memref<8x1024xf32, #tpu.memory_space<vmem>>, vector<1x16xf32>,
      %swap3A_263 = vector.shape_cast %swap3A_262 : vector<1x16xf32> to vector<16xf32>
      %swap3A_264 = vector.shape_cast %mul3A_258 : vector<16xf32> to vector<1x16xf32>
      tpu.vector_store %arg9[%swap3A_260, %swap3A_261], %swap3A_264 {strides = array<i32>} : memref<8x1024xf32, #tpu.memory_space<vmem>>, vector<1x16xf32>,
      %get3A_265 = arith.constant 24 : i32
      %get3A_266 = arith.index_cast %get3A_265 : i32 to index
      %get3A_267 = arith.index_cast %mul3A_74 : i32 to index
      %get3A_268 = tpu.vector_load %arg8[%get3A_266, %get3A_267] {strides = array<i32>} : memref<32x1024xf32, #tpu.memory_space<vmem>>, vector<1x16xf32>,
      %get3A_269 = vector.shape_cast %get3A_268 : vector<1x16xf32> to vector<16xf32>
      %get3A_270 = arith.constant 25 : i32
      %get3A_271 = arith.index_cast %get3A_270 : i32 to index
      %get3A_272 = arith.index_cast %mul3A_74 : i32 to index
      %get3A_273 = tpu.vector_load %arg8[%get3A_271, %get3A_272] {strides = array<i32>} : memref<32x1024xf32, #tpu.memory_space<vmem>>, vector<1x16xf32>,
      %get3A_274 = vector.shape_cast %get3A_273 : vector<1x16xf32> to vector<16xf32>
      %add3A_275 = arith.addf %get3A_269, %get3A_274 : vector<16xf32>
      %get3A_276 = arith.constant 26 : i32
      %get3A_277 = arith.index_cast %get3A_276 : i32 to index
      %get3A_278 = arith.index_cast %mul3A_74 : i32 to index
      %get3A_279 = tpu.vector_load %arg8[%get3A_277, %get3A_278] {strides = array<i32>} : memref<32x1024xf32, #tpu.memory_space<vmem>>, vector<1x16xf32>,
      %get3A_280 = vector.shape_cast %get3A_279 : vector<1x16xf32> to vector<16xf32>
      %get3A_281 = arith.constant 27 : i32
      %get3A_282 = arith.index_cast %get3A_281 : i32 to index
      %get3A_283 = arith.index_cast %mul3A_74 : i32 to index
      %get3A_284 = tpu.vector_load %arg8[%get3A_282, %get3A_283] {strides = array<i32>} : memref<32x1024xf32, #tpu.memory_space<vmem>>, vector<1x16xf32>,
      %get3A_285 = vector.shape_cast %get3A_284 : vector<1x16xf32> to vector<16xf32>
      %add3A_286 = arith.addf %get3A_280, %get3A_285 : vector<16xf32>
      %add3A_287 = arith.addf %add3A_275, %add3A_286 : vector<16xf32>
      %mul3A_288 = arith.constant 2.500000e-01 : f32
      %mul3A_289 = vector.broadcast %mul3A_288 : f32 to vector<16xf32>
      %mul3A_290 = arith.mulf %add3A_287, %mul3A_289 : vector<16xf32>
      %swap3A_291 = arith.constant 6 : i32
      %swap3A_292 = arith.index_cast %swap3A_291 : i32 to index
      %swap3A_293 = arith.index_cast %mul3A_74 : i32 to index
      %swap3A_294 = tpu.vector_load %arg9[%swap3A_292, %swap3A_293] {strides = array<i32>} : memref<8x1024xf32, #tpu.memory_space<vmem>>, vector<1x16xf32>,
      %swap3A_295 = vector.shape_cast %swap3A_294 : vector<1x16xf32> to vector<16xf32>
      %swap3A_296 = vector.shape_cast %mul3A_290 : vector<16xf32> to vector<1x16xf32>
      tpu.vector_store %arg9[%swap3A_292, %swap3A_293], %swap3A_296 {strides = array<i32>} : memref<8x1024xf32, #tpu.memory_space<vmem>>, vector<1x16xf32>,
      %get3A_297 = arith.constant 28 : i32
      %get3A_298 = arith.index_cast %get3A_297 : i32 to index
      %get3A_299 = arith.index_cast %mul3A_74 : i32 to index
      %get3A_300 = tpu.vector_load %arg8[%get3A_298, %get3A_299] {strides = array<i32>} : memref<32x1024xf32, #tpu.memory_space<vmem>>, vector<1x16xf32>,
      %get3A_301 = vector.shape_cast %get3A_300 : vector<1x16xf32> to vector<16xf32>
      %get3A_302 = arith.constant 29 : i32
      %get3A_303 = arith.index_cast %get3A_302 : i32 to index
      %get3A_304 = arith.index_cast %mul3A_74 : i32 to index
      %get3A_305 = tpu.vector_load %arg8[%get3A_303, %get3A_304] {strides = array<i32>} : memref<32x1024xf32, #tpu.memory_space<vmem>>, vector<1x16xf32>,
      %get3A_306 = vector.shape_cast %get3A_305 : vector<1x16xf32> to vector<16xf32>
      %add3A_307 = arith.addf %get3A_301, %get3A_306 : vector<16xf32>
      %get3A_308 = arith.constant 30 : i32
      %get3A_309 = arith.index_cast %get3A_308 : i32 to index
      %get3A_310 = arith.index_cast %mul3A_74 : i32 to index
      %get3A_311 = tpu.vector_load %arg8[%get3A_309, %get3A_310] {strides = array<i32>} : memref<32x1024xf32, #tpu.memory_space<vmem>>, vector<1x16xf32>,
      %get3A_312 = vector.shape_cast %get3A_311 : vector<1x16xf32> to vector<16xf32>
      %get3A_313 = arith.constant 31 : i32
      %get3A_314 = arith.index_cast %get3A_313 : i32 to index
      %get3A_315 = arith.index_cast %mul3A_74 : i32 to index
      %get3A_316 = tpu.vector_load %arg8[%get3A_314, %get3A_315] {strides = array<i32>} : memref<32x1024xf32, #tpu.memory_space<vmem>>, vector<1x16xf32>,
      %get3A_317 = vector.shape_cast %get3A_316 : vector<1x16xf32> to vector<16xf32>
      %add3A_318 = arith.addf %get3A_312, %get3A_317 : vector<16xf32>
      %add3A_319 = arith.addf %add3A_307, %add3A_318 : vector<16xf32>
      %mul3A_320 = arith.constant 2.500000e-01 : f32
      %mul3A_321 = vector.broadcast %mul3A_320 : f32 to vector<16xf32>
      %mul3A_322 = arith.mulf %add3A_319, %mul3A_321 : vector<16xf32>
      %swap3A_323 = arith.constant 7 : i32
      %swap3A_324 = arith.index_cast %swap3A_323 : i32 to index
      %swap3A_325 = arith.index_cast %mul3A_74 : i32 to index
      %swap3A_326 = tpu.vector_load %arg9[%swap3A_324, %swap3A_325] {strides = array<i32>} : memref<8x1024xf32, #tpu.memory_space<vmem>>, vector<1x16xf32>,
      %swap3A_327 = vector.shape_cast %swap3A_326 : vector<1x16xf32> to vector<16xf32>
      %swap3A_328 = vector.shape_cast %mul3A_322 : vector<16xf32> to vector<1x16xf32>
      tpu.vector_store %arg9[%swap3A_324, %swap3A_325], %swap3A_328 {strides = array<i32>} : memref<8x1024xf32, #tpu.memory_space<vmem>>, vector<1x16xf32>,
    }
    %scan3A_40 = arith.constant 64 : i32
    %add3A_41 = arith.constant 8 : i32
    %add3A_42 = arith.addi %mul3A_2, %add3A_41 : i32
    "tpu.region"() ({
      %run_scoped3A = tpu.sem_alloc : memref<!tpu.dma_semaphore, #tpu.memory_space<semaphore_mem>>
      %dma_start3A_72 = arith.constant 0 : i32
      %dma_start3A_73 = tpu.memref_slice %arg4[%add3A_42, %dma_start3A_72] : memref<1024x1024xf32, #tpu.memory_space<hbm>> -> memref<8x1024xf32, #tpu.memory_space<hbm>>
      %dma_start3A_74 = arith.constant 0 : i32
      %dma_start3A_75 = tpu.memref_slice %arg4[%add3A_42, %dma_start3A_74] : memref<1024x1024xf32, #tpu.memory_space<hbm>> -> memref<8x1024xf32, #tpu.memory_space<hbm>>
      tpu.enqueue_dma source(%arg9 : memref<8x1024xf32, #tpu.memory_space<vmem>>) target(%dma_start3A_75 : memref<8x1024xf32, #tpu.memory_space<hbm>>) target_semaphore(%run_scoped3A : memref<!tpu.dma_semaphore, #tpu.memory_space<semaphore_mem>>)
      %dma_wait3A_76 = arith.constant 0 : i32
      %dma_wait3A_77 = tpu.memref_slice %arg4[%add3A_42, %dma_wait3A_76] : memref<1024x1024xf32, #tpu.memory_space<hbm>> -> memref<8x1024xf32, #tpu.memory_space<hbm>>
      %dma_wait3A_78 = arith.constant 0 : i32
      %dma_wait3A_79 = tpu.memref_slice %arg4[%add3A_42, %dma_wait3A_78] : memref<1024x1024xf32, #tpu.memory_space<hbm>> -> memref<8x1024xf32, #tpu.memory_space<hbm>>
      tpu.wait_dma2 semaphore(%run_scoped3A : memref<!tpu.dma_semaphore, #tpu.memory_space<semaphore_mem>>) src(%arg9 : memref<8x1024xf32, #tpu.memory_space<vmem>>) dst(%dma_wait3A_79 : memref<8x1024xf32, #tpu.memory_space<hbm>>)
      tpu.yield
    }) : () -> ()
    %dma_wait3A_43 = arith.constant 0 : i32
    %dma_wait3A_44 = arith.constant 0 : i32
    %dma_wait3A_45 = tpu.memref_slice %arg2[%dma_wait3A_43, %dma_wait3A_44] : memref<32768x1024xf32, #tpu.memory_space<hbm>> -> memref<32768x1024xf32, #tpu.memory_space<hbm>>
    tpu.wait_indirect_dma semaphore(%arg10 : memref<!tpu.dma_semaphore, #tpu.memory_space<semaphore_mem>>) src(%dma_wait3A_45 : memref<32768x1024xf32, #tpu.memory_space<hbm>>) dst(%arg7 : memref<32x1024xf32, #tpu.memory_space<vmem>>)
    %add3A_46 = arith.constant 24 : i32
    %add3A_47 = arith.addi %mul3A_2, %add3A_46 : i32
    %mul3A_48 = arith.constant 4 : i32
    %mul3A_49 = arith.muli %add3A_47, %mul3A_48 : i32
    "tpu.region"() ({
      %run_scoped3A = tpu.sem_alloc : memref<!tpu.dma_semaphore, #tpu.memory_space<semaphore_mem>>
      %dma_start3A_72 = tpu.memref_slice %arg3[%mul3A_49] : memref<4096xi32, #tpu.memory_space<hbm>> -> memref<32xi32, #tpu.memory_space<hbm>>
      %dma_start3A_73 = tpu.memref_slice %arg3[%mul3A_49] : memref<4096xi32, #tpu.memory_space<hbm>> -> memref<32xi32, #tpu.memory_space<hbm>>
      tpu.enqueue_dma source(%dma_start3A_73 : memref<32xi32, #tpu.memory_space<hbm>>) target(%arg6 : memref<32xi32, #tpu.memory_space<vmem>>) target_semaphore(%run_scoped3A : memref<!tpu.dma_semaphore, #tpu.memory_space<semaphore_mem>>)
      %dma_wait3A_74 = tpu.memref_slice %arg3[%mul3A_49] : memref<4096xi32, #tpu.memory_space<hbm>> -> memref<32xi32, #tpu.memory_space<hbm>>
      %dma_wait3A_75 = tpu.memref_slice %arg3[%mul3A_49] : memref<4096xi32, #tpu.memory_space<hbm>> -> memref<32xi32, #tpu.memory_space<hbm>>
      tpu.wait_dma2 semaphore(%run_scoped3A : memref<!tpu.dma_semaphore, #tpu.memory_space<semaphore_mem>>) src(%dma_wait3A_75 : memref<32xi32, #tpu.memory_space<hbm>>) dst(%arg6 : memref<32xi32, #tpu.memory_space<vmem>>)
      tpu.yield
    }) : () -> ()
    %dma_start3A_50 = arith.constant 0 : i32
    %dma_start3A_51 = arith.constant 0 : i32
    %dma_start3A_52 = tpu.memref_slice %arg2[%dma_start3A_50, %dma_start3A_51] : memref<32768x1024xf32, #tpu.memory_space<hbm>> -> memref<32768x1024xf32, #tpu.memory_space<hbm>>
    tpu.enqueue_indirect_dma source(%dma_start3A_52 : memref<32768x1024xf32, #tpu.memory_space<hbm>>) target(%arg8 : memref<32x1024xf32, #tpu.memory_space<vmem>>) offsets(%arg6 : memref<32xi32, #tpu.memory_space<vmem>>) semaphore(%arg11 : memref<!tpu.dma_semaphore, #tpu.memory_space<semaphore_mem>>)
    %scan3A_53 = arith.constant 0 : i32
    %scan3A_54 = arith.constant 0 : i32
    %scan3A_55 = arith.constant 64 : i32
    %scan3A_56 = arith.addi %scan3A_54, %scan3A_55 : i32
    %scan3A_57 = arith.constant 1 : i32
    scf.for %scan3A_72 = %scan3A_54 to %scan3A_56 step %scan3A_57  : i32 {
      %mul3A_73 = arith.constant 16 : i32
      %mul3A_74 = arith.muli %scan3A_72, %mul3A_73 : i32
      %get3A = arith.constant 0 : i32
      %get3A_75 = arith.index_cast %get3A : i32 to index
      %get3A_76 = arith.index_cast %mul3A_74 : i32 to index
      %get3A_77 = tpu.vector_load %arg7[%get3A_75, %get3A_76] {strides = array<i32>} : memref<32x1024xf32, #tpu.memory_space<vmem>>, vector<1x16xf32>,
      %get3A_78 = vector.shape_cast %get3A_77 : vector<1x16xf32> to vector<16xf32>
      %get3A_79 = arith.constant 1 : i32
      %get3A_80 = arith.index_cast %get3A_79 : i32 to index
      %get3A_81 = arith.index_cast %mul3A_74 : i32 to index
      %get3A_82 = tpu.vector_load %arg7[%get3A_80, %get3A_81] {strides = array<i32>} : memref<32x1024xf32, #tpu.memory_space<vmem>>, vector<1x16xf32>,
      %get3A_83 = vector.shape_cast %get3A_82 : vector<1x16xf32> to vector<16xf32>
      %add3A_84 = arith.addf %get3A_78, %get3A_83 : vector<16xf32>
      %get3A_85 = arith.constant 2 : i32
      %get3A_86 = arith.index_cast %get3A_85 : i32 to index
      %get3A_87 = arith.index_cast %mul3A_74 : i32 to index
      %get3A_88 = tpu.vector_load %arg7[%get3A_86, %get3A_87] {strides = array<i32>} : memref<32x1024xf32, #tpu.memory_space<vmem>>, vector<1x16xf32>,
      %get3A_89 = vector.shape_cast %get3A_88 : vector<1x16xf32> to vector<16xf32>
      %get3A_90 = arith.constant 3 : i32
      %get3A_91 = arith.index_cast %get3A_90 : i32 to index
      %get3A_92 = arith.index_cast %mul3A_74 : i32 to index
      %get3A_93 = tpu.vector_load %arg7[%get3A_91, %get3A_92] {strides = array<i32>} : memref<32x1024xf32, #tpu.memory_space<vmem>>, vector<1x16xf32>,
      %get3A_94 = vector.shape_cast %get3A_93 : vector<1x16xf32> to vector<16xf32>
      %add3A_95 = arith.addf %get3A_89, %get3A_94 : vector<16xf32>
      %add3A_96 = arith.addf %add3A_84, %add3A_95 : vector<16xf32>
      %mul3A_97 = arith.constant 2.500000e-01 : f32
      %mul3A_98 = vector.broadcast %mul3A_97 : f32 to vector<16xf32>
      %mul3A_99 = arith.mulf %add3A_96, %mul3A_98 : vector<16xf32>
      %swap3A = arith.constant 0 : i32
      %swap3A_100 = arith.index_cast %swap3A : i32 to index
      %swap3A_101 = arith.index_cast %mul3A_74 : i32 to index
      %swap3A_102 = tpu.vector_load %arg9[%swap3A_100, %swap3A_101] {strides = array<i32>} : memref<8x1024xf32, #tpu.memory_space<vmem>>, vector<1x16xf32>,
      %swap3A_103 = vector.shape_cast %swap3A_102 : vector<1x16xf32> to vector<16xf32>
      %swap3A_104 = vector.shape_cast %mul3A_99 : vector<16xf32> to vector<1x16xf32>
      tpu.vector_store %arg9[%swap3A_100, %swap3A_101], %swap3A_104 {strides = array<i32>} : memref<8x1024xf32, #tpu.memory_space<vmem>>, vector<1x16xf32>,
      %get3A_105 = arith.constant 4 : i32
      %get3A_106 = arith.index_cast %get3A_105 : i32 to index
      %get3A_107 = arith.index_cast %mul3A_74 : i32 to index
      %get3A_108 = tpu.vector_load %arg7[%get3A_106, %get3A_107] {strides = array<i32>} : memref<32x1024xf32, #tpu.memory_space<vmem>>, vector<1x16xf32>,
      %get3A_109 = vector.shape_cast %get3A_108 : vector<1x16xf32> to vector<16xf32>
      %get3A_110 = arith.constant 5 : i32
      %get3A_111 = arith.index_cast %get3A_110 : i32 to index
      %get3A_112 = arith.index_cast %mul3A_74 : i32 to index
      %get3A_113 = tpu.vector_load %arg7[%get3A_111, %get3A_112] {strides = array<i32>} : memref<32x1024xf32, #tpu.memory_space<vmem>>, vector<1x16xf32>,
      %get3A_114 = vector.shape_cast %get3A_113 : vector<1x16xf32> to vector<16xf32>
      %add3A_115 = arith.addf %get3A_109, %get3A_114 : vector<16xf32>
      %get3A_116 = arith.constant 6 : i32
      %get3A_117 = arith.index_cast %get3A_116 : i32 to index
      %get3A_118 = arith.index_cast %mul3A_74 : i32 to index
      %get3A_119 = tpu.vector_load %arg7[%get3A_117, %get3A_118] {strides = array<i32>} : memref<32x1024xf32, #tpu.memory_space<vmem>>, vector<1x16xf32>,
      %get3A_120 = vector.shape_cast %get3A_119 : vector<1x16xf32> to vector<16xf32>
      %get3A_121 = arith.constant 7 : i32
      %get3A_122 = arith.index_cast %get3A_121 : i32 to index
      %get3A_123 = arith.index_cast %mul3A_74 : i32 to index
      %get3A_124 = tpu.vector_load %arg7[%get3A_122, %get3A_123] {strides = array<i32>} : memref<32x1024xf32, #tpu.memory_space<vmem>>, vector<1x16xf32>,
      %get3A_125 = vector.shape_cast %get3A_124 : vector<1x16xf32> to vector<16xf32>
      %add3A_126 = arith.addf %get3A_120, %get3A_125 : vector<16xf32>
      %add3A_127 = arith.addf %add3A_115, %add3A_126 : vector<16xf32>
      %mul3A_128 = arith.constant 2.500000e-01 : f32
      %mul3A_129 = vector.broadcast %mul3A_128 : f32 to vector<16xf32>
      %mul3A_130 = arith.mulf %add3A_127, %mul3A_129 : vector<16xf32>
      %swap3A_131 = arith.constant 1 : i32
      %swap3A_132 = arith.index_cast %swap3A_131 : i32 to index
      %swap3A_133 = arith.index_cast %mul3A_74 : i32 to index
      %swap3A_134 = tpu.vector_load %arg9[%swap3A_132, %swap3A_133] {strides = array<i32>} : memref<8x1024xf32, #tpu.memory_space<vmem>>, vector<1x16xf32>,
      %swap3A_135 = vector.shape_cast %swap3A_134 : vector<1x16xf32> to vector<16xf32>
      %swap3A_136 = vector.shape_cast %mul3A_130 : vector<16xf32> to vector<1x16xf32>
      tpu.vector_store %arg9[%swap3A_132, %swap3A_133], %swap3A_136 {strides = array<i32>} : memref<8x1024xf32, #tpu.memory_space<vmem>>, vector<1x16xf32>,
      %get3A_137 = arith.constant 8 : i32
      %get3A_138 = arith.index_cast %get3A_137 : i32 to index
      %get3A_139 = arith.index_cast %mul3A_74 : i32 to index
      %get3A_140 = tpu.vector_load %arg7[%get3A_138, %get3A_139] {strides = array<i32>} : memref<32x1024xf32, #tpu.memory_space<vmem>>, vector<1x16xf32>,
      %get3A_141 = vector.shape_cast %get3A_140 : vector<1x16xf32> to vector<16xf32>
      %get3A_142 = arith.constant 9 : i32
      %get3A_143 = arith.index_cast %get3A_142 : i32 to index
      %get3A_144 = arith.index_cast %mul3A_74 : i32 to index
      %get3A_145 = tpu.vector_load %arg7[%get3A_143, %get3A_144] {strides = array<i32>} : memref<32x1024xf32, #tpu.memory_space<vmem>>, vector<1x16xf32>,
      %get3A_146 = vector.shape_cast %get3A_145 : vector<1x16xf32> to vector<16xf32>
      %add3A_147 = arith.addf %get3A_141, %get3A_146 : vector<16xf32>
      %get3A_148 = arith.constant 10 : i32
      %get3A_149 = arith.index_cast %get3A_148 : i32 to index
      %get3A_150 = arith.index_cast %mul3A_74 : i32 to index
      %get3A_151 = tpu.vector_load %arg7[%get3A_149, %get3A_150] {strides = array<i32>} : memref<32x1024xf32, #tpu.memory_space<vmem>>, vector<1x16xf32>,
      %get3A_152 = vector.shape_cast %get3A_151 : vector<1x16xf32> to vector<16xf32>
      %get3A_153 = arith.constant 11 : i32
      %get3A_154 = arith.index_cast %get3A_153 : i32 to index
      %get3A_155 = arith.index_cast %mul3A_74 : i32 to index
      %get3A_156 = tpu.vector_load %arg7[%get3A_154, %get3A_155] {strides = array<i32>} : memref<32x1024xf32, #tpu.memory_space<vmem>>, vector<1x16xf32>,
      %get3A_157 = vector.shape_cast %get3A_156 : vector<1x16xf32> to vector<16xf32>
      %add3A_158 = arith.addf %get3A_152, %get3A_157 : vector<16xf32>
      %add3A_159 = arith.addf %add3A_147, %add3A_158 : vector<16xf32>
      %mul3A_160 = arith.constant 2.500000e-01 : f32
      %mul3A_161 = vector.broadcast %mul3A_160 : f32 to vector<16xf32>
      %mul3A_162 = arith.mulf %add3A_159, %mul3A_161 : vector<16xf32>
      %swap3A_163 = arith.constant 2 : i32
      %swap3A_164 = arith.index_cast %swap3A_163 : i32 to index
      %swap3A_165 = arith.index_cast %mul3A_74 : i32 to index
      %swap3A_166 = tpu.vector_load %arg9[%swap3A_164, %swap3A_165] {strides = array<i32>} : memref<8x1024xf32, #tpu.memory_space<vmem>>, vector<1x16xf32>,
      %swap3A_167 = vector.shape_cast %swap3A_166 : vector<1x16xf32> to vector<16xf32>
      %swap3A_168 = vector.shape_cast %mul3A_162 : vector<16xf32> to vector<1x16xf32>
      tpu.vector_store %arg9[%swap3A_164, %swap3A_165], %swap3A_168 {strides = array<i32>} : memref<8x1024xf32, #tpu.memory_space<vmem>>, vector<1x16xf32>,
      %get3A_169 = arith.constant 12 : i32
      %get3A_170 = arith.index_cast %get3A_169 : i32 to index
      %get3A_171 = arith.index_cast %mul3A_74 : i32 to index
      %get3A_172 = tpu.vector_load %arg7[%get3A_170, %get3A_171] {strides = array<i32>} : memref<32x1024xf32, #tpu.memory_space<vmem>>, vector<1x16xf32>,
      %get3A_173 = vector.shape_cast %get3A_172 : vector<1x16xf32> to vector<16xf32>
      %get3A_174 = arith.constant 13 : i32
      %get3A_175 = arith.index_cast %get3A_174 : i32 to index
      %get3A_176 = arith.index_cast %mul3A_74 : i32 to index
      %get3A_177 = tpu.vector_load %arg7[%get3A_175, %get3A_176] {strides = array<i32>} : memref<32x1024xf32, #tpu.memory_space<vmem>>, vector<1x16xf32>,
      %get3A_178 = vector.shape_cast %get3A_177 : vector<1x16xf32> to vector<16xf32>
      %add3A_179 = arith.addf %get3A_173, %get3A_178 : vector<16xf32>
      %get3A_180 = arith.constant 14 : i32
      %get3A_181 = arith.index_cast %get3A_180 : i32 to index
      %get3A_182 = arith.index_cast %mul3A_74 : i32 to index
      %get3A_183 = tpu.vector_load %arg7[%get3A_181, %get3A_182] {strides = array<i32>} : memref<32x1024xf32, #tpu.memory_space<vmem>>, vector<1x16xf32>,
      %get3A_184 = vector.shape_cast %get3A_183 : vector<1x16xf32> to vector<16xf32>
      %get3A_185 = arith.constant 15 : i32
      %get3A_186 = arith.index_cast %get3A_185 : i32 to index
      %get3A_187 = arith.index_cast %mul3A_74 : i32 to index
      %get3A_188 = tpu.vector_load %arg7[%get3A_186, %get3A_187] {strides = array<i32>} : memref<32x1024xf32, #tpu.memory_space<vmem>>, vector<1x16xf32>,
      %get3A_189 = vector.shape_cast %get3A_188 : vector<1x16xf32> to vector<16xf32>
      %add3A_190 = arith.addf %get3A_184, %get3A_189 : vector<16xf32>
      %add3A_191 = arith.addf %add3A_179, %add3A_190 : vector<16xf32>
      %mul3A_192 = arith.constant 2.500000e-01 : f32
      %mul3A_193 = vector.broadcast %mul3A_192 : f32 to vector<16xf32>
      %mul3A_194 = arith.mulf %add3A_191, %mul3A_193 : vector<16xf32>
      %swap3A_195 = arith.constant 3 : i32
      %swap3A_196 = arith.index_cast %swap3A_195 : i32 to index
      %swap3A_197 = arith.index_cast %mul3A_74 : i32 to index
      %swap3A_198 = tpu.vector_load %arg9[%swap3A_196, %swap3A_197] {strides = array<i32>} : memref<8x1024xf32, #tpu.memory_space<vmem>>, vector<1x16xf32>,
      %swap3A_199 = vector.shape_cast %swap3A_198 : vector<1x16xf32> to vector<16xf32>
      %swap3A_200 = vector.shape_cast %mul3A_194 : vector<16xf32> to vector<1x16xf32>
      tpu.vector_store %arg9[%swap3A_196, %swap3A_197], %swap3A_200 {strides = array<i32>} : memref<8x1024xf32, #tpu.memory_space<vmem>>, vector<1x16xf32>,
      %get3A_201 = arith.constant 16 : i32
      %get3A_202 = arith.index_cast %get3A_201 : i32 to index
      %get3A_203 = arith.index_cast %mul3A_74 : i32 to index
      %get3A_204 = tpu.vector_load %arg7[%get3A_202, %get3A_203] {strides = array<i32>} : memref<32x1024xf32, #tpu.memory_space<vmem>>, vector<1x16xf32>,
      %get3A_205 = vector.shape_cast %get3A_204 : vector<1x16xf32> to vector<16xf32>
      %get3A_206 = arith.constant 17 : i32
      %get3A_207 = arith.index_cast %get3A_206 : i32 to index
      %get3A_208 = arith.index_cast %mul3A_74 : i32 to index
      %get3A_209 = tpu.vector_load %arg7[%get3A_207, %get3A_208] {strides = array<i32>} : memref<32x1024xf32, #tpu.memory_space<vmem>>, vector<1x16xf32>,
      %get3A_210 = vector.shape_cast %get3A_209 : vector<1x16xf32> to vector<16xf32>
      %add3A_211 = arith.addf %get3A_205, %get3A_210 : vector<16xf32>
      %get3A_212 = arith.constant 18 : i32
      %get3A_213 = arith.index_cast %get3A_212 : i32 to index
      %get3A_214 = arith.index_cast %mul3A_74 : i32 to index
      %get3A_215 = tpu.vector_load %arg7[%get3A_213, %get3A_214] {strides = array<i32>} : memref<32x1024xf32, #tpu.memory_space<vmem>>, vector<1x16xf32>,
      %get3A_216 = vector.shape_cast %get3A_215 : vector<1x16xf32> to vector<16xf32>
      %get3A_217 = arith.constant 19 : i32
      %get3A_218 = arith.index_cast %get3A_217 : i32 to index
      %get3A_219 = arith.index_cast %mul3A_74 : i32 to index
      %get3A_220 = tpu.vector_load %arg7[%get3A_218, %get3A_219] {strides = array<i32>} : memref<32x1024xf32, #tpu.memory_space<vmem>>, vector<1x16xf32>,
      %get3A_221 = vector.shape_cast %get3A_220 : vector<1x16xf32> to vector<16xf32>
      %add3A_222 = arith.addf %get3A_216, %get3A_221 : vector<16xf32>
      %add3A_223 = arith.addf %add3A_211, %add3A_222 : vector<16xf32>
      %mul3A_224 = arith.constant 2.500000e-01 : f32
      %mul3A_225 = vector.broadcast %mul3A_224 : f32 to vector<16xf32>
      %mul3A_226 = arith.mulf %add3A_223, %mul3A_225 : vector<16xf32>
      %swap3A_227 = arith.constant 4 : i32
      %swap3A_228 = arith.index_cast %swap3A_227 : i32 to index
      %swap3A_229 = arith.index_cast %mul3A_74 : i32 to index
      %swap3A_230 = tpu.vector_load %arg9[%swap3A_228, %swap3A_229] {strides = array<i32>} : memref<8x1024xf32, #tpu.memory_space<vmem>>, vector<1x16xf32>,
      %swap3A_231 = vector.shape_cast %swap3A_230 : vector<1x16xf32> to vector<16xf32>
      %swap3A_232 = vector.shape_cast %mul3A_226 : vector<16xf32> to vector<1x16xf32>
      tpu.vector_store %arg9[%swap3A_228, %swap3A_229], %swap3A_232 {strides = array<i32>} : memref<8x1024xf32, #tpu.memory_space<vmem>>, vector<1x16xf32>,
      %get3A_233 = arith.constant 20 : i32
      %get3A_234 = arith.index_cast %get3A_233 : i32 to index
      %get3A_235 = arith.index_cast %mul3A_74 : i32 to index
      %get3A_236 = tpu.vector_load %arg7[%get3A_234, %get3A_235] {strides = array<i32>} : memref<32x1024xf32, #tpu.memory_space<vmem>>, vector<1x16xf32>,
      %get3A_237 = vector.shape_cast %get3A_236 : vector<1x16xf32> to vector<16xf32>
      %get3A_238 = arith.constant 21 : i32
      %get3A_239 = arith.index_cast %get3A_238 : i32 to index
      %get3A_240 = arith.index_cast %mul3A_74 : i32 to index
      %get3A_241 = tpu.vector_load %arg7[%get3A_239, %get3A_240] {strides = array<i32>} : memref<32x1024xf32, #tpu.memory_space<vmem>>, vector<1x16xf32>,
      %get3A_242 = vector.shape_cast %get3A_241 : vector<1x16xf32> to vector<16xf32>
      %add3A_243 = arith.addf %get3A_237, %get3A_242 : vector<16xf32>
      %get3A_244 = arith.constant 22 : i32
      %get3A_245 = arith.index_cast %get3A_244 : i32 to index
      %get3A_246 = arith.index_cast %mul3A_74 : i32 to index
      %get3A_247 = tpu.vector_load %arg7[%get3A_245, %get3A_246] {strides = array<i32>} : memref<32x1024xf32, #tpu.memory_space<vmem>>, vector<1x16xf32>,
      %get3A_248 = vector.shape_cast %get3A_247 : vector<1x16xf32> to vector<16xf32>
      %get3A_249 = arith.constant 23 : i32
      %get3A_250 = arith.index_cast %get3A_249 : i32 to index
      %get3A_251 = arith.index_cast %mul3A_74 : i32 to index
      %get3A_252 = tpu.vector_load %arg7[%get3A_250, %get3A_251] {strides = array<i32>} : memref<32x1024xf32, #tpu.memory_space<vmem>>, vector<1x16xf32>,
      %get3A_253 = vector.shape_cast %get3A_252 : vector<1x16xf32> to vector<16xf32>
      %add3A_254 = arith.addf %get3A_248, %get3A_253 : vector<16xf32>
      %add3A_255 = arith.addf %add3A_243, %add3A_254 : vector<16xf32>
      %mul3A_256 = arith.constant 2.500000e-01 : f32
      %mul3A_257 = vector.broadcast %mul3A_256 : f32 to vector<16xf32>
      %mul3A_258 = arith.mulf %add3A_255, %mul3A_257 : vector<16xf32>
      %swap3A_259 = arith.constant 5 : i32
      %swap3A_260 = arith.index_cast %swap3A_259 : i32 to index
      %swap3A_261 = arith.index_cast %mul3A_74 : i32 to index
      %swap3A_262 = tpu.vector_load %arg9[%swap3A_260, %swap3A_261] {strides = array<i32>} : memref<8x1024xf32, #tpu.memory_space<vmem>>, vector<1x16xf32>,
      %swap3A_263 = vector.shape_cast %swap3A_262 : vector<1x16xf32> to vector<16xf32>
      %swap3A_264 = vector.shape_cast %mul3A_258 : vector<16xf32> to vector<1x16xf32>
      tpu.vector_store %arg9[%swap3A_260, %swap3A_261], %swap3A_264 {strides = array<i32>} : memref<8x1024xf32, #tpu.memory_space<vmem>>, vector<1x16xf32>,
      %get3A_265 = arith.constant 24 : i32
      %get3A_266 = arith.index_cast %get3A_265 : i32 to index
      %get3A_267 = arith.index_cast %mul3A_74 : i32 to index
      %get3A_268 = tpu.vector_load %arg7[%get3A_266, %get3A_267] {strides = array<i32>} : memref<32x1024xf32, #tpu.memory_space<vmem>>, vector<1x16xf32>,
      %get3A_269 = vector.shape_cast %get3A_268 : vector<1x16xf32> to vector<16xf32>
      %get3A_270 = arith.constant 25 : i32
      %get3A_271 = arith.index_cast %get3A_270 : i32 to index
      %get3A_272 = arith.index_cast %mul3A_74 : i32 to index
      %get3A_273 = tpu.vector_load %arg7[%get3A_271, %get3A_272] {strides = array<i32>} : memref<32x1024xf32, #tpu.memory_space<vmem>>, vector<1x16xf32>,
      %get3A_274 = vector.shape_cast %get3A_273 : vector<1x16xf32> to vector<16xf32>
      %add3A_275 = arith.addf %get3A_269, %get3A_274 : vector<16xf32>
      %get3A_276 = arith.constant 26 : i32
      %get3A_277 = arith.index_cast %get3A_276 : i32 to index
      %get3A_278 = arith.index_cast %mul3A_74 : i32 to index
      %get3A_279 = tpu.vector_load %arg7[%get3A_277, %get3A_278] {strides = array<i32>} : memref<32x1024xf32, #tpu.memory_space<vmem>>, vector<1x16xf32>,
      %get3A_280 = vector.shape_cast %get3A_279 : vector<1x16xf32> to vector<16xf32>
      %get3A_281 = arith.constant 27 : i32
      %get3A_282 = arith.index_cast %get3A_281 : i32 to index
      %get3A_283 = arith.index_cast %mul3A_74 : i32 to index
      %get3A_284 = tpu.vector_load %arg7[%get3A_282, %get3A_283] {strides = array<i32>} : memref<32x1024xf32, #tpu.memory_space<vmem>>, vector<1x16xf32>,
      %get3A_285 = vector.shape_cast %get3A_284 : vector<1x16xf32> to vector<16xf32>
      %add3A_286 = arith.addf %get3A_280, %get3A_285 : vector<16xf32>
      %add3A_287 = arith.addf %add3A_275, %add3A_286 : vector<16xf32>
      %mul3A_288 = arith.constant 2.500000e-01 : f32
      %mul3A_289 = vector.broadcast %mul3A_288 : f32 to vector<16xf32>
      %mul3A_290 = arith.mulf %add3A_287, %mul3A_289 : vector<16xf32>
      %swap3A_291 = arith.constant 6 : i32
      %swap3A_292 = arith.index_cast %swap3A_291 : i32 to index
      %swap3A_293 = arith.index_cast %mul3A_74 : i32 to index
      %swap3A_294 = tpu.vector_load %arg9[%swap3A_292, %swap3A_293] {strides = array<i32>} : memref<8x1024xf32, #tpu.memory_space<vmem>>, vector<1x16xf32>,
      %swap3A_295 = vector.shape_cast %swap3A_294 : vector<1x16xf32> to vector<16xf32>
      %swap3A_296 = vector.shape_cast %mul3A_290 : vector<16xf32> to vector<1x16xf32>
      tpu.vector_store %arg9[%swap3A_292, %swap3A_293], %swap3A_296 {strides = array<i32>} : memref<8x1024xf32, #tpu.memory_space<vmem>>, vector<1x16xf32>,
      %get3A_297 = arith.constant 28 : i32
      %get3A_298 = arith.index_cast %get3A_297 : i32 to index
      %get3A_299 = arith.index_cast %mul3A_74 : i32 to index
      %get3A_300 = tpu.vector_load %arg7[%get3A_298, %get3A_299] {strides = array<i32>} : memref<32x1024xf32, #tpu.memory_space<vmem>>, vector<1x16xf32>,
      %get3A_301 = vector.shape_cast %get3A_300 : vector<1x16xf32> to vector<16xf32>
      %get3A_302 = arith.constant 29 : i32
      %get3A_303 = arith.index_cast %get3A_302 : i32 to index
      %get3A_304 = arith.index_cast %mul3A_74 : i32 to index
      %get3A_305 = tpu.vector_load %arg7[%get3A_303, %get3A_304] {strides = array<i32>} : memref<32x1024xf32, #tpu.memory_space<vmem>>, vector<1x16xf32>,
      %get3A_306 = vector.shape_cast %get3A_305 : vector<1x16xf32> to vector<16xf32>
      %add3A_307 = arith.addf %get3A_301, %get3A_306 : vector<16xf32>
      %get3A_308 = arith.constant 30 : i32
      %get3A_309 = arith.index_cast %get3A_308 : i32 to index
      %get3A_310 = arith.index_cast %mul3A_74 : i32 to index
      %get3A_311 = tpu.vector_load %arg7[%get3A_309, %get3A_310] {strides = array<i32>} : memref<32x1024xf32, #tpu.memory_space<vmem>>, vector<1x16xf32>,
      %get3A_312 = vector.shape_cast %get3A_311 : vector<1x16xf32> to vector<16xf32>
      %get3A_313 = arith.constant 31 : i32
      %get3A_314 = arith.index_cast %get3A_313 : i32 to index
      %get3A_315 = arith.index_cast %mul3A_74 : i32 to index
      %get3A_316 = tpu.vector_load %arg7[%get3A_314, %get3A_315] {strides = array<i32>} : memref<32x1024xf32, #tpu.memory_space<vmem>>, vector<1x16xf32>,
      %get3A_317 = vector.shape_cast %get3A_316 : vector<1x16xf32> to vector<16xf32>
      %add3A_318 = arith.addf %get3A_312, %get3A_317 : vector<16xf32>
      %add3A_319 = arith.addf %add3A_307, %add3A_318 : vector<16xf32>
      %mul3A_320 = arith.constant 2.500000e-01 : f32
      %mul3A_321 = vector.broadcast %mul3A_320 : f32 to vector<16xf32>
      %mul3A_322 = arith.mulf %add3A_319, %mul3A_321 : vector<16xf32>
      %swap3A_323 = arith.constant 7 : i32
      %swap3A_324 = arith.index_cast %swap3A_323 : i32 to index
      %swap3A_325 = arith.index_cast %mul3A_74 : i32 to index
      %swap3A_326 = tpu.vector_load %arg9[%swap3A_324, %swap3A_325] {strides = array<i32>} : memref<8x1024xf32, #tpu.memory_space<vmem>>, vector<1x16xf32>,
      %swap3A_327 = vector.shape_cast %swap3A_326 : vector<1x16xf32> to vector<16xf32>
      %swap3A_328 = vector.shape_cast %mul3A_322 : vector<16xf32> to vector<1x16xf32>
      tpu.vector_store %arg9[%swap3A_324, %swap3A_325], %swap3A_328 {strides = array<i32>} : memref<8x1024xf32, #tpu.memory_space<vmem>>, vector<1x16xf32>,
    }
    %scan3A_58 = arith.constant 64 : i32
    %add3A_59 = arith.constant 16 : i32
    %add3A_60 = arith.addi %mul3A_2, %add3A_59 : i32
    "tpu.region"() ({
      %run_scoped3A = tpu.sem_alloc : memref<!tpu.dma_semaphore, #tpu.memory_space<semaphore_mem>>
      %dma_start3A_72 = arith.constant 0 : i32
      %dma_start3A_73 = tpu.memref_slice %arg4[%add3A_60, %dma_start3A_72] : memref<1024x1024xf32, #tpu.memory_space<hbm>> -> memref<8x1024xf32, #tpu.memory_space<hbm>>
      %dma_start3A_74 = arith.constant 0 : i32
      %dma_start3A_75 = tpu.memref_slice %arg4[%add3A_60, %dma_start3A_74] : memref<1024x1024xf32, #tpu.memory_space<hbm>> -> memref<8x1024xf32, #tpu.memory_space<hbm>>
      tpu.enqueue_dma source(%arg9 : memref<8x1024xf32, #tpu.memory_space<vmem>>) target(%dma_start3A_75 : memref<8x1024xf32, #tpu.memory_space<hbm>>) target_semaphore(%run_scoped3A : memref<!tpu.dma_semaphore, #tpu.memory_space<semaphore_mem>>)
      %dma_wait3A_76 = arith.constant 0 : i32
      %dma_wait3A_77 = tpu.memref_slice %arg4[%add3A_60, %dma_wait3A_76] : memref<1024x1024xf32, #tpu.memory_space<hbm>> -> memref<8x1024xf32, #tpu.memory_space<hbm>>
      %dma_wait3A_78 = arith.constant 0 : i32
      %dma_wait3A_79 = tpu.memref_slice %arg4[%add3A_60, %dma_wait3A_78] : memref<1024x1024xf32, #tpu.memory_space<hbm>> -> memref<8x1024xf32, #tpu.memory_space<hbm>>
      tpu.wait_dma2 semaphore(%run_scoped3A : memref<!tpu.dma_semaphore, #tpu.memory_space<semaphore_mem>>) src(%arg9 : memref<8x1024xf32, #tpu.memory_space<vmem>>) dst(%dma_wait3A_79 : memref<8x1024xf32, #tpu.memory_space<hbm>>)
      tpu.yield
    }) : () -> ()
    %dma_wait3A_61 = arith.constant 0 : i32
    %dma_wait3A_62 = arith.constant 0 : i32
    %dma_wait3A_63 = tpu.memref_slice %arg2[%dma_wait3A_61, %dma_wait3A_62] : memref<32768x1024xf32, #tpu.memory_space<hbm>> -> memref<32768x1024xf32, #tpu.memory_space<hbm>>
    tpu.wait_indirect_dma semaphore(%arg11 : memref<!tpu.dma_semaphore, #tpu.memory_space<semaphore_mem>>) src(%dma_wait3A_63 : memref<32768x1024xf32, #tpu.memory_space<hbm>>) dst(%arg8 : memref<32x1024xf32, #tpu.memory_space<vmem>>)
    %scan3A_64 = arith.constant 0 : i32
    %scan3A_65 = arith.constant 0 : i32
    %scan3A_66 = arith.constant 64 : i32
    %scan3A_67 = arith.addi %scan3A_65, %scan3A_66 : i32
    %scan3A_68 = arith.constant 1 : i32
    scf.for %scan3A_72 = %scan3A_65 to %scan3A_67 step %scan3A_68  : i32 {
      %mul3A_73 = arith.constant 16 : i32
      %mul3A_74 = arith.muli %scan3A_72, %mul3A_73 : i32
      %get3A = arith.constant 0 : i32
      %get3A_75 = arith.index_cast %get3A : i32 to index
      %get3A_76 = arith.index_cast %mul3A_74 : i32 to index
      %get3A_77 = tpu.vector_load %arg8[%get3A_75, %get3A_76] {strides = array<i32>} : memref<32x1024xf32, #tpu.memory_space<vmem>>, vector<1x16xf32>,
      %get3A_78 = vector.shape_cast %get3A_77 : vector<1x16xf32> to vector<16xf32>
      %get3A_79 = arith.constant 1 : i32
      %get3A_80 = arith.index_cast %get3A_79 : i32 to index
      %get3A_81 = arith.index_cast %mul3A_74 : i32 to index
      %get3A_82 = tpu.vector_load %arg8[%get3A_80, %get3A_81] {strides = array<i32>} : memref<32x1024xf32, #tpu.memory_space<vmem>>, vector<1x16xf32>,
      %get3A_83 = vector.shape_cast %get3A_82 : vector<1x16xf32> to vector<16xf32>
      %add3A_84 = arith.addf %get3A_78, %get3A_83 : vector<16xf32>
      %get3A_85 = arith.constant 2 : i32
      %get3A_86 = arith.index_cast %get3A_85 : i32 to index
      %get3A_87 = arith.index_cast %mul3A_74 : i32 to index
      %get3A_88 = tpu.vector_load %arg8[%get3A_86, %get3A_87] {strides = array<i32>} : memref<32x1024xf32, #tpu.memory_space<vmem>>, vector<1x16xf32>,
      %get3A_89 = vector.shape_cast %get3A_88 : vector<1x16xf32> to vector<16xf32>
      %get3A_90 = arith.constant 3 : i32
      %get3A_91 = arith.index_cast %get3A_90 : i32 to index
      %get3A_92 = arith.index_cast %mul3A_74 : i32 to index
      %get3A_93 = tpu.vector_load %arg8[%get3A_91, %get3A_92] {strides = array<i32>} : memref<32x1024xf32, #tpu.memory_space<vmem>>, vector<1x16xf32>,
      %get3A_94 = vector.shape_cast %get3A_93 : vector<1x16xf32> to vector<16xf32>
      %add3A_95 = arith.addf %get3A_89, %get3A_94 : vector<16xf32>
      %add3A_96 = arith.addf %add3A_84, %add3A_95 : vector<16xf32>
      %mul3A_97 = arith.constant 2.500000e-01 : f32
      %mul3A_98 = vector.broadcast %mul3A_97 : f32 to vector<16xf32>
      %mul3A_99 = arith.mulf %add3A_96, %mul3A_98 : vector<16xf32>
      %swap3A = arith.constant 0 : i32
      %swap3A_100 = arith.index_cast %swap3A : i32 to index
      %swap3A_101 = arith.index_cast %mul3A_74 : i32 to index
      %swap3A_102 = tpu.vector_load %arg9[%swap3A_100, %swap3A_101] {strides = array<i32>} : memref<8x1024xf32, #tpu.memory_space<vmem>>, vector<1x16xf32>,
      %swap3A_103 = vector.shape_cast %swap3A_102 : vector<1x16xf32> to vector<16xf32>
      %swap3A_104 = vector.shape_cast %mul3A_99 : vector<16xf32> to vector<1x16xf32>
      tpu.vector_store %arg9[%swap3A_100, %swap3A_101], %swap3A_104 {strides = array<i32>} : memref<8x1024xf32, #tpu.memory_space<vmem>>, vector<1x16xf32>,
      %get3A_105 = arith.constant 4 : i32
      %get3A_106 = arith.index_cast %get3A_105 : i32 to index
      %get3A_107 = arith.index_cast %mul3A_74 : i32 to index
      %get3A_108 = tpu.vector_load %arg8[%get3A_106, %get3A_107] {strides = array<i32>} : memref<32x1024xf32, #tpu.memory_space<vmem>>, vector<1x16xf32>,
      %get3A_109 = vector.shape_cast %get3A_108 : vector<1x16xf32> to vector<16xf32>
      %get3A_110 = arith.constant 5 : i32
      %get3A_111 = arith.index_cast %get3A_110 : i32 to index
      %get3A_112 = arith.index_cast %mul3A_74 : i32 to index
      %get3A_113 = tpu.vector_load %arg8[%get3A_111, %get3A_112] {strides = array<i32>} : memref<32x1024xf32, #tpu.memory_space<vmem>>, vector<1x16xf32>,
      %get3A_114 = vector.shape_cast %get3A_113 : vector<1x16xf32> to vector<16xf32>
      %add3A_115 = arith.addf %get3A_109, %get3A_114 : vector<16xf32>
      %get3A_116 = arith.constant 6 : i32
      %get3A_117 = arith.index_cast %get3A_116 : i32 to index
      %get3A_118 = arith.index_cast %mul3A_74 : i32 to index
      %get3A_119 = tpu.vector_load %arg8[%get3A_117, %get3A_118] {strides = array<i32>} : memref<32x1024xf32, #tpu.memory_space<vmem>>, vector<1x16xf32>,
      %get3A_120 = vector.shape_cast %get3A_119 : vector<1x16xf32> to vector<16xf32>
      %get3A_121 = arith.constant 7 : i32
      %get3A_122 = arith.index_cast %get3A_121 : i32 to index
      %get3A_123 = arith.index_cast %mul3A_74 : i32 to index
      %get3A_124 = tpu.vector_load %arg8[%get3A_122, %get3A_123] {strides = array<i32>} : memref<32x1024xf32, #tpu.memory_space<vmem>>, vector<1x16xf32>,
      %get3A_125 = vector.shape_cast %get3A_124 : vector<1x16xf32> to vector<16xf32>
      %add3A_126 = arith.addf %get3A_120, %get3A_125 : vector<16xf32>
      %add3A_127 = arith.addf %add3A_115, %add3A_126 : vector<16xf32>
      %mul3A_128 = arith.constant 2.500000e-01 : f32
      %mul3A_129 = vector.broadcast %mul3A_128 : f32 to vector<16xf32>
      %mul3A_130 = arith.mulf %add3A_127, %mul3A_129 : vector<16xf32>
      %swap3A_131 = arith.constant 1 : i32
      %swap3A_132 = arith.index_cast %swap3A_131 : i32 to index
      %swap3A_133 = arith.index_cast %mul3A_74 : i32 to index
      %swap3A_134 = tpu.vector_load %arg9[%swap3A_132, %swap3A_133] {strides = array<i32>} : memref<8x1024xf32, #tpu.memory_space<vmem>>, vector<1x16xf32>,
      %swap3A_135 = vector.shape_cast %swap3A_134 : vector<1x16xf32> to vector<16xf32>
      %swap3A_136 = vector.shape_cast %mul3A_130 : vector<16xf32> to vector<1x16xf32>
      tpu.vector_store %arg9[%swap3A_132, %swap3A_133], %swap3A_136 {strides = array<i32>} : memref<8x1024xf32, #tpu.memory_space<vmem>>, vector<1x16xf32>,
      %get3A_137 = arith.constant 8 : i32
      %get3A_138 = arith.index_cast %get3A_137 : i32 to index
      %get3A_139 = arith.index_cast %mul3A_74 : i32 to index
      %get3A_140 = tpu.vector_load %arg8[%get3A_138, %get3A_139] {strides = array<i32>} : memref<32x1024xf32, #tpu.memory_space<vmem>>, vector<1x16xf32>,
      %get3A_141 = vector.shape_cast %get3A_140 : vector<1x16xf32> to vector<16xf32>
      %get3A_142 = arith.constant 9 : i32
      %get3A_143 = arith.index_cast %get3A_142 : i32 to index
      %get3A_144 = arith.index_cast %mul3A_74 : i32 to index
      %get3A_145 = tpu.vector_load %arg8[%get3A_143, %get3A_144] {strides = array<i32>} : memref<32x1024xf32, #tpu.memory_space<vmem>>, vector<1x16xf32>,
      %get3A_146 = vector.shape_cast %get3A_145 : vector<1x16xf32> to vector<16xf32>
      %add3A_147 = arith.addf %get3A_141, %get3A_146 : vector<16xf32>
      %get3A_148 = arith.constant 10 : i32
      %get3A_149 = arith.index_cast %get3A_148 : i32 to index
      %get3A_150 = arith.index_cast %mul3A_74 : i32 to index
      %get3A_151 = tpu.vector_load %arg8[%get3A_149, %get3A_150] {strides = array<i32>} : memref<32x1024xf32, #tpu.memory_space<vmem>>, vector<1x16xf32>,
      %get3A_152 = vector.shape_cast %get3A_151 : vector<1x16xf32> to vector<16xf32>
      %get3A_153 = arith.constant 11 : i32
      %get3A_154 = arith.index_cast %get3A_153 : i32 to index
      %get3A_155 = arith.index_cast %mul3A_74 : i32 to index
      %get3A_156 = tpu.vector_load %arg8[%get3A_154, %get3A_155] {strides = array<i32>} : memref<32x1024xf32, #tpu.memory_space<vmem>>, vector<1x16xf32>,
      %get3A_157 = vector.shape_cast %get3A_156 : vector<1x16xf32> to vector<16xf32>
      %add3A_158 = arith.addf %get3A_152, %get3A_157 : vector<16xf32>
      %add3A_159 = arith.addf %add3A_147, %add3A_158 : vector<16xf32>
      %mul3A_160 = arith.constant 2.500000e-01 : f32
      %mul3A_161 = vector.broadcast %mul3A_160 : f32 to vector<16xf32>
      %mul3A_162 = arith.mulf %add3A_159, %mul3A_161 : vector<16xf32>
      %swap3A_163 = arith.constant 2 : i32
      %swap3A_164 = arith.index_cast %swap3A_163 : i32 to index
      %swap3A_165 = arith.index_cast %mul3A_74 : i32 to index
      %swap3A_166 = tpu.vector_load %arg9[%swap3A_164, %swap3A_165] {strides = array<i32>} : memref<8x1024xf32, #tpu.memory_space<vmem>>, vector<1x16xf32>,
      %swap3A_167 = vector.shape_cast %swap3A_166 : vector<1x16xf32> to vector<16xf32>
      %swap3A_168 = vector.shape_cast %mul3A_162 : vector<16xf32> to vector<1x16xf32>
      tpu.vector_store %arg9[%swap3A_164, %swap3A_165], %swap3A_168 {strides = array<i32>} : memref<8x1024xf32, #tpu.memory_space<vmem>>, vector<1x16xf32>,
      %get3A_169 = arith.constant 12 : i32
      %get3A_170 = arith.index_cast %get3A_169 : i32 to index
      %get3A_171 = arith.index_cast %mul3A_74 : i32 to index
      %get3A_172 = tpu.vector_load %arg8[%get3A_170, %get3A_171] {strides = array<i32>} : memref<32x1024xf32, #tpu.memory_space<vmem>>, vector<1x16xf32>,
      %get3A_173 = vector.shape_cast %get3A_172 : vector<1x16xf32> to vector<16xf32>
      %get3A_174 = arith.constant 13 : i32
      %get3A_175 = arith.index_cast %get3A_174 : i32 to index
      %get3A_176 = arith.index_cast %mul3A_74 : i32 to index
      %get3A_177 = tpu.vector_load %arg8[%get3A_175, %get3A_176] {strides = array<i32>} : memref<32x1024xf32, #tpu.memory_space<vmem>>, vector<1x16xf32>,
      %get3A_178 = vector.shape_cast %get3A_177 : vector<1x16xf32> to vector<16xf32>
      %add3A_179 = arith.addf %get3A_173, %get3A_178 : vector<16xf32>
      %get3A_180 = arith.constant 14 : i32
      %get3A_181 = arith.index_cast %get3A_180 : i32 to index
      %get3A_182 = arith.index_cast %mul3A_74 : i32 to index
      %get3A_183 = tpu.vector_load %arg8[%get3A_181, %get3A_182] {strides = array<i32>} : memref<32x1024xf32, #tpu.memory_space<vmem>>, vector<1x16xf32>,
      %get3A_184 = vector.shape_cast %get3A_183 : vector<1x16xf32> to vector<16xf32>
      %get3A_185 = arith.constant 15 : i32
      %get3A_186 = arith.index_cast %get3A_185 : i32 to index
      %get3A_187 = arith.index_cast %mul3A_74 : i32 to index
      %get3A_188 = tpu.vector_load %arg8[%get3A_186, %get3A_187] {strides = array<i32>} : memref<32x1024xf32, #tpu.memory_space<vmem>>, vector<1x16xf32>,
      %get3A_189 = vector.shape_cast %get3A_188 : vector<1x16xf32> to vector<16xf32>
      %add3A_190 = arith.addf %get3A_184, %get3A_189 : vector<16xf32>
      %add3A_191 = arith.addf %add3A_179, %add3A_190 : vector<16xf32>
      %mul3A_192 = arith.constant 2.500000e-01 : f32
      %mul3A_193 = vector.broadcast %mul3A_192 : f32 to vector<16xf32>
      %mul3A_194 = arith.mulf %add3A_191, %mul3A_193 : vector<16xf32>
      %swap3A_195 = arith.constant 3 : i32
      %swap3A_196 = arith.index_cast %swap3A_195 : i32 to index
      %swap3A_197 = arith.index_cast %mul3A_74 : i32 to index
      %swap3A_198 = tpu.vector_load %arg9[%swap3A_196, %swap3A_197] {strides = array<i32>} : memref<8x1024xf32, #tpu.memory_space<vmem>>, vector<1x16xf32>,
      %swap3A_199 = vector.shape_cast %swap3A_198 : vector<1x16xf32> to vector<16xf32>
      %swap3A_200 = vector.shape_cast %mul3A_194 : vector<16xf32> to vector<1x16xf32>
      tpu.vector_store %arg9[%swap3A_196, %swap3A_197], %swap3A_200 {strides = array<i32>} : memref<8x1024xf32, #tpu.memory_space<vmem>>, vector<1x16xf32>,
      %get3A_201 = arith.constant 16 : i32
      %get3A_202 = arith.index_cast %get3A_201 : i32 to index
      %get3A_203 = arith.index_cast %mul3A_74 : i32 to index
      %get3A_204 = tpu.vector_load %arg8[%get3A_202, %get3A_203] {strides = array<i32>} : memref<32x1024xf32, #tpu.memory_space<vmem>>, vector<1x16xf32>,
      %get3A_205 = vector.shape_cast %get3A_204 : vector<1x16xf32> to vector<16xf32>
      %get3A_206 = arith.constant 17 : i32
      %get3A_207 = arith.index_cast %get3A_206 : i32 to index
      %get3A_208 = arith.index_cast %mul3A_74 : i32 to index
      %get3A_209 = tpu.vector_load %arg8[%get3A_207, %get3A_208] {strides = array<i32>} : memref<32x1024xf32, #tpu.memory_space<vmem>>, vector<1x16xf32>,
      %get3A_210 = vector.shape_cast %get3A_209 : vector<1x16xf32> to vector<16xf32>
      %add3A_211 = arith.addf %get3A_205, %get3A_210 : vector<16xf32>
      %get3A_212 = arith.constant 18 : i32
      %get3A_213 = arith.index_cast %get3A_212 : i32 to index
      %get3A_214 = arith.index_cast %mul3A_74 : i32 to index
      %get3A_215 = tpu.vector_load %arg8[%get3A_213, %get3A_214] {strides = array<i32>} : memref<32x1024xf32, #tpu.memory_space<vmem>>, vector<1x16xf32>,
      %get3A_216 = vector.shape_cast %get3A_215 : vector<1x16xf32> to vector<16xf32>
      %get3A_217 = arith.constant 19 : i32
      %get3A_218 = arith.index_cast %get3A_217 : i32 to index
      %get3A_219 = arith.index_cast %mul3A_74 : i32 to index
      %get3A_220 = tpu.vector_load %arg8[%get3A_218, %get3A_219] {strides = array<i32>} : memref<32x1024xf32, #tpu.memory_space<vmem>>, vector<1x16xf32>,
      %get3A_221 = vector.shape_cast %get3A_220 : vector<1x16xf32> to vector<16xf32>
      %add3A_222 = arith.addf %get3A_216, %get3A_221 : vector<16xf32>
      %add3A_223 = arith.addf %add3A_211, %add3A_222 : vector<16xf32>
      %mul3A_224 = arith.constant 2.500000e-01 : f32
      %mul3A_225 = vector.broadcast %mul3A_224 : f32 to vector<16xf32>
      %mul3A_226 = arith.mulf %add3A_223, %mul3A_225 : vector<16xf32>
      %swap3A_227 = arith.constant 4 : i32
      %swap3A_228 = arith.index_cast %swap3A_227 : i32 to index
      %swap3A_229 = arith.index_cast %mul3A_74 : i32 to index
      %swap3A_230 = tpu.vector_load %arg9[%swap3A_228, %swap3A_229] {strides = array<i32>} : memref<8x1024xf32, #tpu.memory_space<vmem>>, vector<1x16xf32>,
      %swap3A_231 = vector.shape_cast %swap3A_230 : vector<1x16xf32> to vector<16xf32>
      %swap3A_232 = vector.shape_cast %mul3A_226 : vector<16xf32> to vector<1x16xf32>
      tpu.vector_store %arg9[%swap3A_228, %swap3A_229], %swap3A_232 {strides = array<i32>} : memref<8x1024xf32, #tpu.memory_space<vmem>>, vector<1x16xf32>,
      %get3A_233 = arith.constant 20 : i32
      %get3A_234 = arith.index_cast %get3A_233 : i32 to index
      %get3A_235 = arith.index_cast %mul3A_74 : i32 to index
      %get3A_236 = tpu.vector_load %arg8[%get3A_234, %get3A_235] {strides = array<i32>} : memref<32x1024xf32, #tpu.memory_space<vmem>>, vector<1x16xf32>,
      %get3A_237 = vector.shape_cast %get3A_236 : vector<1x16xf32> to vector<16xf32>
      %get3A_238 = arith.constant 21 : i32
      %get3A_239 = arith.index_cast %get3A_238 : i32 to index
      %get3A_240 = arith.index_cast %mul3A_74 : i32 to index
      %get3A_241 = tpu.vector_load %arg8[%get3A_239, %get3A_240] {strides = array<i32>} : memref<32x1024xf32, #tpu.memory_space<vmem>>, vector<1x16xf32>,
      %get3A_242 = vector.shape_cast %get3A_241 : vector<1x16xf32> to vector<16xf32>
      %add3A_243 = arith.addf %get3A_237, %get3A_242 : vector<16xf32>
      %get3A_244 = arith.constant 22 : i32
      %get3A_245 = arith.index_cast %get3A_244 : i32 to index
      %get3A_246 = arith.index_cast %mul3A_74 : i32 to index
      %get3A_247 = tpu.vector_load %arg8[%get3A_245, %get3A_246] {strides = array<i32>} : memref<32x1024xf32, #tpu.memory_space<vmem>>, vector<1x16xf32>,
      %get3A_248 = vector.shape_cast %get3A_247 : vector<1x16xf32> to vector<16xf32>
      %get3A_249 = arith.constant 23 : i32
      %get3A_250 = arith.index_cast %get3A_249 : i32 to index
      %get3A_251 = arith.index_cast %mul3A_74 : i32 to index
      %get3A_252 = tpu.vector_load %arg8[%get3A_250, %get3A_251] {strides = array<i32>} : memref<32x1024xf32, #tpu.memory_space<vmem>>, vector<1x16xf32>,
      %get3A_253 = vector.shape_cast %get3A_252 : vector<1x16xf32> to vector<16xf32>
      %add3A_254 = arith.addf %get3A_248, %get3A_253 : vector<16xf32>
      %add3A_255 = arith.addf %add3A_243, %add3A_254 : vector<16xf32>
      %mul3A_256 = arith.constant 2.500000e-01 : f32
      %mul3A_257 = vector.broadcast %mul3A_256 : f32 to vector<16xf32>
      %mul3A_258 = arith.mulf %add3A_255, %mul3A_257 : vector<16xf32>
      %swap3A_259 = arith.constant 5 : i32
      %swap3A_260 = arith.index_cast %swap3A_259 : i32 to index
      %swap3A_261 = arith.index_cast %mul3A_74 : i32 to index
      %swap3A_262 = tpu.vector_load %arg9[%swap3A_260, %swap3A_261] {strides = array<i32>} : memref<8x1024xf32, #tpu.memory_space<vmem>>, vector<1x16xf32>,
      %swap3A_263 = vector.shape_cast %swap3A_262 : vector<1x16xf32> to vector<16xf32>
      %swap3A_264 = vector.shape_cast %mul3A_258 : vector<16xf32> to vector<1x16xf32>
      tpu.vector_store %arg9[%swap3A_260, %swap3A_261], %swap3A_264 {strides = array<i32>} : memref<8x1024xf32, #tpu.memory_space<vmem>>, vector<1x16xf32>,
      %get3A_265 = arith.constant 24 : i32
      %get3A_266 = arith.index_cast %get3A_265 : i32 to index
      %get3A_267 = arith.index_cast %mul3A_74 : i32 to index
      %get3A_268 = tpu.vector_load %arg8[%get3A_266, %get3A_267] {strides = array<i32>} : memref<32x1024xf32, #tpu.memory_space<vmem>>, vector<1x16xf32>,
      %get3A_269 = vector.shape_cast %get3A_268 : vector<1x16xf32> to vector<16xf32>
      %get3A_270 = arith.constant 25 : i32
      %get3A_271 = arith.index_cast %get3A_270 : i32 to index
      %get3A_272 = arith.index_cast %mul3A_74 : i32 to index
      %get3A_273 = tpu.vector_load %arg8[%get3A_271, %get3A_272] {strides = array<i32>} : memref<32x1024xf32, #tpu.memory_space<vmem>>, vector<1x16xf32>,
      %get3A_274 = vector.shape_cast %get3A_273 : vector<1x16xf32> to vector<16xf32>
      %add3A_275 = arith.addf %get3A_269, %get3A_274 : vector<16xf32>
      %get3A_276 = arith.constant 26 : i32
      %get3A_277 = arith.index_cast %get3A_276 : i32 to index
      %get3A_278 = arith.index_cast %mul3A_74 : i32 to index
      %get3A_279 = tpu.vector_load %arg8[%get3A_277, %get3A_278] {strides = array<i32>} : memref<32x1024xf32, #tpu.memory_space<vmem>>, vector<1x16xf32>,
      %get3A_280 = vector.shape_cast %get3A_279 : vector<1x16xf32> to vector<16xf32>
      %get3A_281 = arith.constant 27 : i32
      %get3A_282 = arith.index_cast %get3A_281 : i32 to index
      %get3A_283 = arith.index_cast %mul3A_74 : i32 to index
      %get3A_284 = tpu.vector_load %arg8[%get3A_282, %get3A_283] {strides = array<i32>} : memref<32x1024xf32, #tpu.memory_space<vmem>>, vector<1x16xf32>,
      %get3A_285 = vector.shape_cast %get3A_284 : vector<1x16xf32> to vector<16xf32>
      %add3A_286 = arith.addf %get3A_280, %get3A_285 : vector<16xf32>
      %add3A_287 = arith.addf %add3A_275, %add3A_286 : vector<16xf32>
      %mul3A_288 = arith.constant 2.500000e-01 : f32
      %mul3A_289 = vector.broadcast %mul3A_288 : f32 to vector<16xf32>
      %mul3A_290 = arith.mulf %add3A_287, %mul3A_289 : vector<16xf32>
      %swap3A_291 = arith.constant 6 : i32
      %swap3A_292 = arith.index_cast %swap3A_291 : i32 to index
      %swap3A_293 = arith.index_cast %mul3A_74 : i32 to index
      %swap3A_294 = tpu.vector_load %arg9[%swap3A_292, %swap3A_293] {strides = array<i32>} : memref<8x1024xf32, #tpu.memory_space<vmem>>, vector<1x16xf32>,
      %swap3A_295 = vector.shape_cast %swap3A_294 : vector<1x16xf32> to vector<16xf32>
      %swap3A_296 = vector.shape_cast %mul3A_290 : vector<16xf32> to vector<1x16xf32>
      tpu.vector_store %arg9[%swap3A_292, %swap3A_293], %swap3A_296 {strides = array<i32>} : memref<8x1024xf32, #tpu.memory_space<vmem>>, vector<1x16xf32>,
      %get3A_297 = arith.constant 28 : i32
      %get3A_298 = arith.index_cast %get3A_297 : i32 to index
      %get3A_299 = arith.index_cast %mul3A_74 : i32 to index
      %get3A_300 = tpu.vector_load %arg8[%get3A_298, %get3A_299] {strides = array<i32>} : memref<32x1024xf32, #tpu.memory_space<vmem>>, vector<1x16xf32>,
      %get3A_301 = vector.shape_cast %get3A_300 : vector<1x16xf32> to vector<16xf32>
      %get3A_302 = arith.constant 29 : i32
      %get3A_303 = arith.index_cast %get3A_302 : i32 to index
      %get3A_304 = arith.index_cast %mul3A_74 : i32 to index
      %get3A_305 = tpu.vector_load %arg8[%get3A_303, %get3A_304] {strides = array<i32>} : memref<32x1024xf32, #tpu.memory_space<vmem>>, vector<1x16xf32>,
      %get3A_306 = vector.shape_cast %get3A_305 : vector<1x16xf32> to vector<16xf32>
      %add3A_307 = arith.addf %get3A_301, %get3A_306 : vector<16xf32>
      %get3A_308 = arith.constant 30 : i32
      %get3A_309 = arith.index_cast %get3A_308 : i32 to index
      %get3A_310 = arith.index_cast %mul3A_74 : i32 to index
      %get3A_311 = tpu.vector_load %arg8[%get3A_309, %get3A_310] {strides = array<i32>} : memref<32x1024xf32, #tpu.memory_space<vmem>>, vector<1x16xf32>,
      %get3A_312 = vector.shape_cast %get3A_311 : vector<1x16xf32> to vector<16xf32>
      %get3A_313 = arith.constant 31 : i32
      %get3A_314 = arith.index_cast %get3A_313 : i32 to index
      %get3A_315 = arith.index_cast %mul3A_74 : i32 to index
      %get3A_316 = tpu.vector_load %arg8[%get3A_314, %get3A_315] {strides = array<i32>} : memref<32x1024xf32, #tpu.memory_space<vmem>>, vector<1x16xf32>,
      %get3A_317 = vector.shape_cast %get3A_316 : vector<1x16xf32> to vector<16xf32>
      %add3A_318 = arith.addf %get3A_312, %get3A_317 : vector<16xf32>
      %add3A_319 = arith.addf %add3A_307, %add3A_318 : vector<16xf32>
      %mul3A_320 = arith.constant 2.500000e-01 : f32
      %mul3A_321 = vector.broadcast %mul3A_320 : f32 to vector<16xf32>
      %mul3A_322 = arith.mulf %add3A_319, %mul3A_321 : vector<16xf32>
      %swap3A_323 = arith.constant 7 : i32
      %swap3A_324 = arith.index_cast %swap3A_323 : i32 to index
      %swap3A_325 = arith.index_cast %mul3A_74 : i32 to index
      %swap3A_326 = tpu.vector_load %arg9[%swap3A_324, %swap3A_325] {strides = array<i32>} : memref<8x1024xf32, #tpu.memory_space<vmem>>, vector<1x16xf32>,
      %swap3A_327 = vector.shape_cast %swap3A_326 : vector<1x16xf32> to vector<16xf32>
      %swap3A_328 = vector.shape_cast %mul3A_322 : vector<16xf32> to vector<1x16xf32>
      tpu.vector_store %arg9[%swap3A_324, %swap3A_325], %swap3A_328 {strides = array<i32>} : memref<8x1024xf32, #tpu.memory_space<vmem>>, vector<1x16xf32>,
    }
    %scan3A_69 = arith.constant 64 : i32
    %add3A_70 = arith.constant 24 : i32
    %add3A_71 = arith.addi %mul3A_2, %add3A_70 : i32
    "tpu.region"() ({
      %run_scoped3A = tpu.sem_alloc : memref<!tpu.dma_semaphore, #tpu.memory_space<semaphore_mem>>
      %dma_start3A_72 = arith.constant 0 : i32
      %dma_start3A_73 = tpu.memref_slice %arg4[%add3A_71, %dma_start3A_72] : memref<1024x1024xf32, #tpu.memory_space<hbm>> -> memref<8x1024xf32, #tpu.memory_space<hbm>>
      %dma_start3A_74 = arith.constant 0 : i32
      %dma_start3A_75 = tpu.memref_slice %arg4[%add3A_71, %dma_start3A_74] : memref<1024x1024xf32, #tpu.memory_space<hbm>> -> memref<8x1024xf32, #tpu.memory_space<hbm>>
      tpu.enqueue_dma source(%arg9 : memref<8x1024xf32, #tpu.memory_space<vmem>>) target(%dma_start3A_75 : memref<8x1024xf32, #tpu.memory_space<hbm>>) target_semaphore(%run_scoped3A : memref<!tpu.dma_semaphore, #tpu.memory_space<semaphore_mem>>)
      %dma_wait3A_76 = arith.constant 0 : i32
      %dma_wait3A_77 = tpu.memref_slice %arg4[%add3A_71, %dma_wait3A_76] : memref<1024x1024xf32, #tpu.memory_space<hbm>> -> memref<8x1024xf32, #tpu.memory_space<hbm>>
      %dma_wait3A_78 = arith.constant 0 : i32
      %dma_wait3A_79 = tpu.memref_slice %arg4[%add3A_71, %dma_wait3A_78] : memref<1024x1024xf32, #tpu.memory_space<hbm>> -> memref<8x1024xf32, #tpu.memory_space<hbm>>
      tpu.wait_dma2 semaphore(%run_scoped3A : memref<!tpu.dma_semaphore, #tpu.memory_space<semaphore_mem>>) src(%arg9 : memref<8x1024xf32, #tpu.memory_space<vmem>>) dst(%dma_wait3A_79 : memref<8x1024xf32, #tpu.memory_space<hbm>>)
      tpu.yield
    }) : () -> ()
    return
  }
}

module attributes {stable_mosaic.version = 14 : i64} {
  func.func @_topk_body(%arg0: i32, %arg1: memref<1024x1024xf32, #tpu.memory_space<vmem>>, %arg2: memref<4096x1024xf32, #tpu.memory_space<vmem>>, %arg3: memref<1024x4xi32, #tpu.memory_space<vmem>>, %arg4: memref<1024x128xf32, #tpu.memory_space<vmem>>, %arg5: memref<1024x128xf32, #tpu.memory_space<vmem>>, %arg6: memref<1024x1024xbf16, #tpu.memory_space<vmem>>) attributes {dimension_semantics = [#tpu.dimension_semantics<arbitrary>], iteration_bounds = array<i64: 8>, scalar_prefetch = 0 : i64, scratch_operands = 3 : i64, tpu.core_type = #tpu.core_type<tc>, window_params = [{pipeline_mode = #tpu.pipeline_mode<synchronous>, transform_indices = @transform_0, window_bounds = array<i64: 1024, 1024>}, {transform_indices = @transform_1, window_bounds = array<i64: 4096, 1024>}, {pipeline_mode = #tpu.pipeline_mode<synchronous>, transform_indices = @transform_2, window_bounds = array<i64: 1024, 4>}]} {
    %eq3A = arith.constant 0 : i32
    %eq3A_0 = arith.cmpi eq, %arg0, %eq3A : i32
    %convert_element_type3A = arith.extui %eq3A_0 : i1 to i32
    %cond3A = arith.constant 0 : i32
    %cond3A_1 = arith.cmpi ne, %convert_element_type3A, %cond3A : i32
    scf.if %cond3A_1 {
      %broadcast_in_dim3A_219 = arith.constant 0xFF800000 : f32
      %broadcast_in_dim3A_220 = vector.broadcast %broadcast_in_dim3A_219 : f32 to vector<1024x128xf32>
      %swap3A_221 = arith.constant 0 : index
      %swap3A_222 = arith.constant 0 : index
      %swap3A_223 = vector.load %arg4[%swap3A_221, %swap3A_222] : memref<1024x128xf32, #tpu.memory_space<vmem>>, vector<1024x128xf32>
      tpu.vector_store %arg4[%swap3A_221, %swap3A_222], %broadcast_in_dim3A_220 {strides = array<i32>} : memref<1024x128xf32, #tpu.memory_space<vmem>>, vector<1024x128xf32>,
      %broadcast_in_dim3A_224 = arith.constant 0x4B800000 : f32
      %broadcast_in_dim3A_225 = vector.broadcast %broadcast_in_dim3A_224 : f32 to vector<1024x128xf32>
      %swap3A_226 = arith.constant 0 : index
      %swap3A_227 = arith.constant 0 : index
      %swap3A_228 = vector.load %arg5[%swap3A_226, %swap3A_227] : memref<1024x128xf32, #tpu.memory_space<vmem>>, vector<1024x128xf32>
      tpu.vector_store %arg5[%swap3A_226, %swap3A_227], %broadcast_in_dim3A_225 {strides = array<i32>} : memref<1024x128xf32, #tpu.memory_space<vmem>>, vector<1024x128xf32>,
      %get3A_229 = arith.constant 0 : index
      %get3A_230 = arith.constant 0 : index
      %get3A_231 = vector.load %arg1[%get3A_229, %get3A_230] : memref<1024x1024xf32, #tpu.memory_space<vmem>>, vector<1024x1024xf32>
      %mul3A_232 = arith.mulf %get3A_231, %get3A_231 : vector<1024x1024xf32>
      %reduce_sum3A_233 = arith.constant dense<0.000000e+00> : vector<1024xf32>
      %reduce_sum3A_234 = vector.multi_reduction <add>, %mul3A_232, %reduce_sum3A_233 [1] : vector<1024x1024xf32> to vector<1024xf32>
      %broadcast_in_dim3A_235 = vector.shape_cast %reduce_sum3A_234 : vector<1024xf32> to vector<1024x1xf32>
      %sqrt3A_236 = math.sqrt %broadcast_in_dim3A_235 : vector<1024x1xf32>
      %max3A_237 = arith.constant 9.99999996E-13 : f32
      %max3A_238 = vector.broadcast %max3A_237 : f32 to vector<1024x1xf32>
      %max3A_239 = arith.maximumf %sqrt3A_236, %max3A_238 : vector<1024x1xf32>
      %div3A_240 = vector.broadcast %max3A_239 : vector<1024x1xf32> to vector<1024x1024xf32>
      %div3A_241 = arith.divf %get3A_231, %div3A_240 : vector<1024x1024xf32>
      %convert_element_type3A_242 = arith.truncf %div3A_241 : vector<1024x1024xf32> to vector<1024x1024xbf16>
      %swap3A_243 = arith.constant 0 : index
      %swap3A_244 = arith.constant 0 : index
      %swap3A_245 = vector.load %arg6[%swap3A_243, %swap3A_244] : memref<1024x1024xbf16, #tpu.memory_space<vmem>>, vector<1024x1024xbf16>
      tpu.vector_store %arg6[%swap3A_243, %swap3A_244], %convert_element_type3A_242 {strides = array<i32>} : memref<1024x1024xbf16, #tpu.memory_space<vmem>>, vector<1024x1024xbf16>,
    } else {
    }
    %get3A = arith.constant 0 : index
    %get3A_2 = arith.constant 0 : index
    %get3A_3 = vector.load %arg2[%get3A, %get3A_2] : memref<4096x1024xf32, #tpu.memory_space<vmem>>, vector<4096x1024xf32>
    %mul3A = arith.mulf %get3A_3, %get3A_3 : vector<4096x1024xf32>
    %reduce_sum3A = arith.constant dense<0.000000e+00> : vector<4096xf32>
    %reduce_sum3A_4 = vector.multi_reduction <add>, %mul3A, %reduce_sum3A [1] : vector<4096x1024xf32> to vector<4096xf32>
    %broadcast_in_dim3A = vector.shape_cast %reduce_sum3A_4 : vector<4096xf32> to vector<4096x1xf32>
    %sqrt3A = math.sqrt %broadcast_in_dim3A : vector<4096x1xf32>
    %max3A = arith.constant 9.99999996E-13 : f32
    %max3A_5 = vector.broadcast %max3A : f32 to vector<4096x1xf32>
    %max3A_6 = arith.maximumf %sqrt3A, %max3A_5 : vector<4096x1xf32>
    %div3A = vector.broadcast %max3A_6 : vector<4096x1xf32> to vector<4096x1024xf32>
    %div3A_7 = arith.divf %get3A_3, %div3A : vector<4096x1024xf32>
    %convert_element_type3A_8 = arith.truncf %div3A_7 : vector<4096x1024xf32> to vector<4096x1024xbf16>
    %get3A_9 = arith.constant 0 : index
    %get3A_10 = arith.constant 0 : index
    %get3A_11 = vector.load %arg6[%get3A_9, %get3A_10] : memref<1024x1024xbf16, #tpu.memory_space<vmem>>, vector<1024x1024xbf16>
    %dot_general3A = arith.constant dense<0.000000e+00> : vector<1024x4096xf32>
    %dot_general3A_12 = tpu.matmul %get3A_11, %convert_element_type3A_8, %dot_general3A {dimension_numbers = #tpu.dot_dimension_numbers<[1], [1], [0], [0], [0, 0, 1, 0], [], []>, transpose_lhs_hint = false} : vector<1024x1024xbf16>, vector<4096x1024xbf16>, vector<1024x4096xf32> -> vector<1024x4096xf32>
    %iota3A = tpu.iota {dimensions = array<i32: 1>} : vector<1024x4096xi32>
    %convert_element_type3A_13 = arith.sitofp %iota3A : vector<1024x4096xi32> to vector<1024x4096xf32>
    %mul3A_14 = arith.constant 4096 : i32
    %mul3A_15 = arith.muli %arg0, %mul3A_14 : i32
    %convert_element_type3A_16 = arith.sitofp %mul3A_15 : i32 to f32
    %get3A_17 = arith.constant 0 : index
    %get3A_18 = arith.constant 0 : index
    %get3A_19 = vector.load %arg4[%get3A_17, %get3A_18] : memref<1024x128xf32, #tpu.memory_space<vmem>>, vector<1024x128xf32>
    %get3A_20 = arith.constant 0 : index
    %get3A_21 = arith.constant 0 : index
    %get3A_22 = vector.load %arg5[%get3A_20, %get3A_21] : memref<1024x128xf32, #tpu.memory_space<vmem>>, vector<1024x128xf32>
    %reduce_max3A = arith.constant dense<0xFF800000> : vector<1024xf32>
    %reduce_max3A_23 = vector.multi_reduction <maximumf>, %dot_general3A_12, %reduce_max3A [1] : vector<1024x4096xf32> to vector<1024xf32>
    %broadcast_in_dim3A_24 = vector.shape_cast %reduce_max3A_23 : vector<1024xf32> to vector<1024x1xf32>
    %reduce_max3A_25 = arith.constant dense<0xFF800000> : vector<1024xf32>
    %reduce_max3A_26 = vector.multi_reduction <maximumf>, %get3A_19, %reduce_max3A_25 [1] : vector<1024x128xf32> to vector<1024xf32>
    %broadcast_in_dim3A_27 = vector.shape_cast %reduce_max3A_26 : vector<1024xf32> to vector<1024x1xf32>
    %max3A_28 = arith.maximumf %broadcast_in_dim3A_24, %broadcast_in_dim3A_27 : vector<1024x1xf32>
    %eq3A_29 = vector.broadcast %max3A_28 : vector<1024x1xf32> to vector<1024x4096xf32>
    %eq3A_30 = arith.cmpf oeq, %dot_general3A_12, %eq3A_29 : vector<1024x4096xf32>
    %jit3A = arith.constant 0x4B800000 : f32
    %broadcast_in_dim3A_31 = vector.broadcast %jit3A : f32 to vector<1024x4096xf32>
    %select_n3A = arith.select %eq3A_30, %convert_element_type3A_13, %broadcast_in_dim3A_31 : vector<1024x4096xi1>, vector<1024x4096xf32>
    %reduce_min3A = arith.constant dense<0x7F800000> : vector<1024xf32>
    %reduce_min3A_32 = vector.multi_reduction <minimumf>, %select_n3A, %reduce_min3A [1] : vector<1024x4096xf32> to vector<1024xf32>
    %broadcast_in_dim3A_33 = vector.shape_cast %reduce_min3A_32 : vector<1024xf32> to vector<1024x1xf32>
    %add3A = vector.broadcast %convert_element_type3A_16 : f32 to vector<1024x1xf32>
    %add3A_34 = arith.addf %broadcast_in_dim3A_33, %add3A : vector<1024x1xf32>
    %eq3A_35 = vector.broadcast %max3A_28 : vector<1024x1xf32> to vector<1024x128xf32>
    %eq3A_36 = arith.cmpf oeq, %get3A_19, %eq3A_35 : vector<1024x128xf32>
    %jit3A_37 = arith.constant 0x4B800000 : f32
    %broadcast_in_dim3A_38 = vector.broadcast %jit3A_37 : f32 to vector<1024x128xf32>
    %select_n3A_39 = arith.select %eq3A_36, %get3A_22, %broadcast_in_dim3A_38 : vector<1024x128xi1>, vector<1024x128xf32>
    %reduce_min3A_40 = arith.constant dense<0x7F800000> : vector<1024xf32>
    %reduce_min3A_41 = vector.multi_reduction <minimumf>, %select_n3A_39, %reduce_min3A_40 [1] : vector<1024x128xf32> to vector<1024xf32>
    %broadcast_in_dim3A_42 = vector.shape_cast %reduce_min3A_41 : vector<1024xf32> to vector<1024x1xf32>
    %min3A = arith.minimumf %add3A_34, %broadcast_in_dim3A_42 : vector<1024x1xf32>
    %sub3A = vector.broadcast %convert_element_type3A_16 : f32 to vector<1024x1xf32>
    %sub3A_43 = arith.subf %min3A, %sub3A : vector<1024x1xf32>
    %eq3A_44 = vector.broadcast %sub3A_43 : vector<1024x1xf32> to vector<1024x4096xf32>
    %eq3A_45 = arith.cmpf oeq, %convert_element_type3A_13, %eq3A_44 : vector<1024x4096xf32>
    %jit3A_46 = arith.constant 0xFF800000 : f32
    %broadcast_in_dim3A_47 = vector.broadcast %jit3A_46 : f32 to vector<1024x4096xf32>
    %select_n3A_48 = arith.select %eq3A_45, %broadcast_in_dim3A_47, %dot_general3A_12 : vector<1024x4096xi1>, vector<1024x4096xf32>
    %eq3A_49 = vector.broadcast %min3A : vector<1024x1xf32> to vector<1024x128xf32>
    %eq3A_50 = arith.cmpf oeq, %get3A_22, %eq3A_49 : vector<1024x128xf32>
    %jit3A_51 = arith.constant 0xFF800000 : f32
    %broadcast_in_dim3A_52 = vector.broadcast %jit3A_51 : f32 to vector<1024x128xf32>
    %select_n3A_53 = arith.select %eq3A_50, %broadcast_in_dim3A_52, %get3A_19 : vector<1024x128xi1>, vector<1024x128xf32>
    %reduce_max3A_54 = arith.constant dense<0xFF800000> : vector<1024xf32>
    %reduce_max3A_55 = vector.multi_reduction <maximumf>, %select_n3A_48, %reduce_max3A_54 [1] : vector<1024x4096xf32> to vector<1024xf32>
    %broadcast_in_dim3A_56 = vector.shape_cast %reduce_max3A_55 : vector<1024xf32> to vector<1024x1xf32>
    %reduce_max3A_57 = arith.constant dense<0xFF800000> : vector<1024xf32>
    %reduce_max3A_58 = vector.multi_reduction <maximumf>, %select_n3A_53, %reduce_max3A_57 [1] : vector<1024x128xf32> to vector<1024xf32>
    %broadcast_in_dim3A_59 = vector.shape_cast %reduce_max3A_58 : vector<1024xf32> to vector<1024x1xf32>
    %max3A_60 = arith.maximumf %broadcast_in_dim3A_56, %broadcast_in_dim3A_59 : vector<1024x1xf32>
    %eq3A_61 = vector.broadcast %max3A_60 : vector<1024x1xf32> to vector<1024x4096xf32>
    %eq3A_62 = arith.cmpf oeq, %select_n3A_48, %eq3A_61 : vector<1024x4096xf32>
    %jit3A_63 = arith.constant 0x4B800000 : f32
    %broadcast_in_dim3A_64 = vector.broadcast %jit3A_63 : f32 to vector<1024x4096xf32>
    %select_n3A_65 = arith.select %eq3A_62, %convert_element_type3A_13, %broadcast_in_dim3A_64 : vector<1024x4096xi1>, vector<1024x4096xf32>
    %reduce_min3A_66 = arith.constant dense<0x7F800000> : vector<1024xf32>
    %reduce_min3A_67 = vector.multi_reduction <minimumf>, %select_n3A_65, %reduce_min3A_66 [1] : vector<1024x4096xf32> to vector<1024xf32>
    %broadcast_in_dim3A_68 = vector.shape_cast %reduce_min3A_67 : vector<1024xf32> to vector<1024x1xf32>
    %add3A_69 = vector.broadcast %convert_element_type3A_16 : f32 to vector<1024x1xf32>
    %add3A_70 = arith.addf %broadcast_in_dim3A_68, %add3A_69 : vector<1024x1xf32>
    %eq3A_71 = vector.broadcast %max3A_60 : vector<1024x1xf32> to vector<1024x128xf32>
    %eq3A_72 = arith.cmpf oeq, %select_n3A_53, %eq3A_71 : vector<1024x128xf32>
    %jit3A_73 = arith.constant 0x4B800000 : f32
    %broadcast_in_dim3A_74 = vector.broadcast %jit3A_73 : f32 to vector<1024x128xf32>
    %select_n3A_75 = arith.select %eq3A_72, %get3A_22, %broadcast_in_dim3A_74 : vector<1024x128xi1>, vector<1024x128xf32>
    %reduce_min3A_76 = arith.constant dense<0x7F800000> : vector<1024xf32>
    %reduce_min3A_77 = vector.multi_reduction <minimumf>, %select_n3A_75, %reduce_min3A_76 [1] : vector<1024x128xf32> to vector<1024xf32>
    %broadcast_in_dim3A_78 = vector.shape_cast %reduce_min3A_77 : vector<1024xf32> to vector<1024x1xf32>
    %min3A_79 = arith.minimumf %add3A_70, %broadcast_in_dim3A_78 : vector<1024x1xf32>
    %sub3A_80 = vector.broadcast %convert_element_type3A_16 : f32 to vector<1024x1xf32>
    %sub3A_81 = arith.subf %min3A_79, %sub3A_80 : vector<1024x1xf32>
    %eq3A_82 = vector.broadcast %sub3A_81 : vector<1024x1xf32> to vector<1024x4096xf32>
    %eq3A_83 = arith.cmpf oeq, %convert_element_type3A_13, %eq3A_82 : vector<1024x4096xf32>
    %jit3A_84 = arith.constant 0xFF800000 : f32
    %broadcast_in_dim3A_85 = vector.broadcast %jit3A_84 : f32 to vector<1024x4096xf32>
    %select_n3A_86 = arith.select %eq3A_83, %broadcast_in_dim3A_85, %select_n3A_48 : vector<1024x4096xi1>, vector<1024x4096xf32>
    %eq3A_87 = vector.broadcast %min3A_79 : vector<1024x1xf32> to vector<1024x128xf32>
    %eq3A_88 = arith.cmpf oeq, %get3A_22, %eq3A_87 : vector<1024x128xf32>
    %jit3A_89 = arith.constant 0xFF800000 : f32
    %broadcast_in_dim3A_90 = vector.broadcast %jit3A_89 : f32 to vector<1024x128xf32>
    %select_n3A_91 = arith.select %eq3A_88, %broadcast_in_dim3A_90, %select_n3A_53 : vector<1024x128xi1>, vector<1024x128xf32>
    %reduce_max3A_92 = arith.constant dense<0xFF800000> : vector<1024xf32>
    %reduce_max3A_93 = vector.multi_reduction <maximumf>, %select_n3A_86, %reduce_max3A_92 [1] : vector<1024x4096xf32> to vector<1024xf32>
    %broadcast_in_dim3A_94 = vector.shape_cast %reduce_max3A_93 : vector<1024xf32> to vector<1024x1xf32>
    %reduce_max3A_95 = arith.constant dense<0xFF800000> : vector<1024xf32>
    %reduce_max3A_96 = vector.multi_reduction <maximumf>, %select_n3A_91, %reduce_max3A_95 [1] : vector<1024x128xf32> to vector<1024xf32>
    %broadcast_in_dim3A_97 = vector.shape_cast %reduce_max3A_96 : vector<1024xf32> to vector<1024x1xf32>
    %max3A_98 = arith.maximumf %broadcast_in_dim3A_94, %broadcast_in_dim3A_97 : vector<1024x1xf32>
    %eq3A_99 = vector.broadcast %max3A_98 : vector<1024x1xf32> to vector<1024x4096xf32>
    %eq3A_100 = arith.cmpf oeq, %select_n3A_86, %eq3A_99 : vector<1024x4096xf32>
    %jit3A_101 = arith.constant 0x4B800000 : f32
    %broadcast_in_dim3A_102 = vector.broadcast %jit3A_101 : f32 to vector<1024x4096xf32>
    %select_n3A_103 = arith.select %eq3A_100, %convert_element_type3A_13, %broadcast_in_dim3A_102 : vector<1024x4096xi1>, vector<1024x4096xf32>
    %reduce_min3A_104 = arith.constant dense<0x7F800000> : vector<1024xf32>
    %reduce_min3A_105 = vector.multi_reduction <minimumf>, %select_n3A_103, %reduce_min3A_104 [1] : vector<1024x4096xf32> to vector<1024xf32>
    %broadcast_in_dim3A_106 = vector.shape_cast %reduce_min3A_105 : vector<1024xf32> to vector<1024x1xf32>
    %add3A_107 = vector.broadcast %convert_element_type3A_16 : f32 to vector<1024x1xf32>
    %add3A_108 = arith.addf %broadcast_in_dim3A_106, %add3A_107 : vector<1024x1xf32>
    %eq3A_109 = vector.broadcast %max3A_98 : vector<1024x1xf32> to vector<1024x128xf32>
    %eq3A_110 = arith.cmpf oeq, %select_n3A_91, %eq3A_109 : vector<1024x128xf32>
    %jit3A_111 = arith.constant 0x4B800000 : f32
    %broadcast_in_dim3A_112 = vector.broadcast %jit3A_111 : f32 to vector<1024x128xf32>
    %select_n3A_113 = arith.select %eq3A_110, %get3A_22, %broadcast_in_dim3A_112 : vector<1024x128xi1>, vector<1024x128xf32>
    %reduce_min3A_114 = arith.constant dense<0x7F800000> : vector<1024xf32>
    %reduce_min3A_115 = vector.multi_reduction <minimumf>, %select_n3A_113, %reduce_min3A_114 [1] : vector<1024x128xf32> to vector<1024xf32>
    %broadcast_in_dim3A_116 = vector.shape_cast %reduce_min3A_115 : vector<1024xf32> to vector<1024x1xf32>
    %min3A_117 = arith.minimumf %add3A_108, %broadcast_in_dim3A_116 : vector<1024x1xf32>
    %sub3A_118 = vector.broadcast %convert_element_type3A_16 : f32 to vector<1024x1xf32>
    %sub3A_119 = arith.subf %min3A_117, %sub3A_118 : vector<1024x1xf32>
    %eq3A_120 = vector.broadcast %sub3A_119 : vector<1024x1xf32> to vector<1024x4096xf32>
    %eq3A_121 = arith.cmpf oeq, %convert_element_type3A_13, %eq3A_120 : vector<1024x4096xf32>
    %jit3A_122 = arith.constant 0xFF800000 : f32
    %broadcast_in_dim3A_123 = vector.broadcast %jit3A_122 : f32 to vector<1024x4096xf32>
    %select_n3A_124 = arith.select %eq3A_121, %broadcast_in_dim3A_123, %select_n3A_86 : vector<1024x4096xi1>, vector<1024x4096xf32>
    %eq3A_125 = vector.broadcast %min3A_117 : vector<1024x1xf32> to vector<1024x128xf32>
    %eq3A_126 = arith.cmpf oeq, %get3A_22, %eq3A_125 : vector<1024x128xf32>
    %jit3A_127 = arith.constant 0xFF800000 : f32
    %broadcast_in_dim3A_128 = vector.broadcast %jit3A_127 : f32 to vector<1024x128xf32>
    %select_n3A_129 = arith.select %eq3A_126, %broadcast_in_dim3A_128, %select_n3A_91 : vector<1024x128xi1>, vector<1024x128xf32>
    %reduce_max3A_130 = arith.constant dense<0xFF800000> : vector<1024xf32>
    %reduce_max3A_131 = vector.multi_reduction <maximumf>, %select_n3A_124, %reduce_max3A_130 [1] : vector<1024x4096xf32> to vector<1024xf32>
    %broadcast_in_dim3A_132 = vector.shape_cast %reduce_max3A_131 : vector<1024xf32> to vector<1024x1xf32>
    %reduce_max3A_133 = arith.constant dense<0xFF800000> : vector<1024xf32>
    %reduce_max3A_134 = vector.multi_reduction <maximumf>, %select_n3A_129, %reduce_max3A_133 [1] : vector<1024x128xf32> to vector<1024xf32>
    %broadcast_in_dim3A_135 = vector.shape_cast %reduce_max3A_134 : vector<1024xf32> to vector<1024x1xf32>
    %max3A_136 = arith.maximumf %broadcast_in_dim3A_132, %broadcast_in_dim3A_135 : vector<1024x1xf32>
    %eq3A_137 = vector.broadcast %max3A_136 : vector<1024x1xf32> to vector<1024x4096xf32>
    %eq3A_138 = arith.cmpf oeq, %select_n3A_124, %eq3A_137 : vector<1024x4096xf32>
    %jit3A_139 = arith.constant 0x4B800000 : f32
    %broadcast_in_dim3A_140 = vector.broadcast %jit3A_139 : f32 to vector<1024x4096xf32>
    %select_n3A_141 = arith.select %eq3A_138, %convert_element_type3A_13, %broadcast_in_dim3A_140 : vector<1024x4096xi1>, vector<1024x4096xf32>
    %reduce_min3A_142 = arith.constant dense<0x7F800000> : vector<1024xf32>
    %reduce_min3A_143 = vector.multi_reduction <minimumf>, %select_n3A_141, %reduce_min3A_142 [1] : vector<1024x4096xf32> to vector<1024xf32>
    %broadcast_in_dim3A_144 = vector.shape_cast %reduce_min3A_143 : vector<1024xf32> to vector<1024x1xf32>
    %add3A_145 = vector.broadcast %convert_element_type3A_16 : f32 to vector<1024x1xf32>
    %add3A_146 = arith.addf %broadcast_in_dim3A_144, %add3A_145 : vector<1024x1xf32>
    %eq3A_147 = vector.broadcast %max3A_136 : vector<1024x1xf32> to vector<1024x128xf32>
    %eq3A_148 = arith.cmpf oeq, %select_n3A_129, %eq3A_147 : vector<1024x128xf32>
    %jit3A_149 = arith.constant 0x4B800000 : f32
    %broadcast_in_dim3A_150 = vector.broadcast %jit3A_149 : f32 to vector<1024x128xf32>
    %select_n3A_151 = arith.select %eq3A_148, %get3A_22, %broadcast_in_dim3A_150 : vector<1024x128xi1>, vector<1024x128xf32>
    %reduce_min3A_152 = arith.constant dense<0x7F800000> : vector<1024xf32>
    %reduce_min3A_153 = vector.multi_reduction <minimumf>, %select_n3A_151, %reduce_min3A_152 [1] : vector<1024x128xf32> to vector<1024xf32>
    %broadcast_in_dim3A_154 = vector.shape_cast %reduce_min3A_153 : vector<1024xf32> to vector<1024x1xf32>
    %min3A_155 = arith.minimumf %add3A_146, %broadcast_in_dim3A_154 : vector<1024x1xf32>
    %iota3A_156 = tpu.iota {dimensions = array<i32: 1>} : vector<1024x128xi32>
    %broadcast_in_dim3A_157 = arith.constant 0xFF800000 : f32
    %broadcast_in_dim3A_158 = vector.broadcast %broadcast_in_dim3A_157 : f32 to vector<1024x128xf32>
    %broadcast_in_dim3A_159 = arith.constant 0x4B800000 : f32
    %broadcast_in_dim3A_160 = vector.broadcast %broadcast_in_dim3A_159 : f32 to vector<1024x128xf32>
    %eq3A_161 = arith.constant 0 : i32
    %eq3A_162 = vector.broadcast %eq3A_161 : i32 to vector<1024x128xi32>
    %eq3A_163 = arith.cmpi eq, %iota3A_156, %eq3A_162 : vector<1024x128xi32>
    %broadcast_in_dim3A_164 = vector.shape_cast %max3A_28 : vector<1024x1xf32> to vector<1024x1xf32>
    %broadcast_in_dim3A_165 = vector.broadcast %broadcast_in_dim3A_164 : vector<1024x1xf32> to vector<1024x128xf32>
    %select_n3A_166 = arith.select %eq3A_163, %broadcast_in_dim3A_165, %broadcast_in_dim3A_158 : vector<1024x128xi1>, vector<1024x128xf32>
    %eq3A_167 = arith.constant 0 : i32
    %eq3A_168 = vector.broadcast %eq3A_167 : i32 to vector<1024x128xi32>
    %eq3A_169 = arith.cmpi eq, %iota3A_156, %eq3A_168 : vector<1024x128xi32>
    %broadcast_in_dim3A_170 = vector.shape_cast %min3A : vector<1024x1xf32> to vector<1024x1xf32>
    %broadcast_in_dim3A_171 = vector.broadcast %broadcast_in_dim3A_170 : vector<1024x1xf32> to vector<1024x128xf32>
    %select_n3A_172 = arith.select %eq3A_169, %broadcast_in_dim3A_171, %broadcast_in_dim3A_160 : vector<1024x128xi1>, vector<1024x128xf32>
    %eq3A_173 = arith.constant 1 : i32
    %eq3A_174 = vector.broadcast %eq3A_173 : i32 to vector<1024x128xi32>
    %eq3A_175 = arith.cmpi eq, %iota3A_156, %eq3A_174 : vector<1024x128xi32>
    %broadcast_in_dim3A_176 = vector.shape_cast %max3A_60 : vector<1024x1xf32> to vector<1024x1xf32>
    %broadcast_in_dim3A_177 = vector.broadcast %broadcast_in_dim3A_176 : vector<1024x1xf32> to vector<1024x128xf32>
    %select_n3A_178 = arith.select %eq3A_175, %broadcast_in_dim3A_177, %select_n3A_166 : vector<1024x128xi1>, vector<1024x128xf32>
    %eq3A_179 = arith.constant 1 : i32
    %eq3A_180 = vector.broadcast %eq3A_179 : i32 to vector<1024x128xi32>
    %eq3A_181 = arith.cmpi eq, %iota3A_156, %eq3A_180 : vector<1024x128xi32>
    %broadcast_in_dim3A_182 = vector.shape_cast %min3A_79 : vector<1024x1xf32> to vector<1024x1xf32>
    %broadcast_in_dim3A_183 = vector.broadcast %broadcast_in_dim3A_182 : vector<1024x1xf32> to vector<1024x128xf32>
    %select_n3A_184 = arith.select %eq3A_181, %broadcast_in_dim3A_183, %select_n3A_172 : vector<1024x128xi1>, vector<1024x128xf32>
    %eq3A_185 = arith.constant 2 : i32
    %eq3A_186 = vector.broadcast %eq3A_185 : i32 to vector<1024x128xi32>
    %eq3A_187 = arith.cmpi eq, %iota3A_156, %eq3A_186 : vector<1024x128xi32>
    %broadcast_in_dim3A_188 = vector.shape_cast %max3A_98 : vector<1024x1xf32> to vector<1024x1xf32>
    %broadcast_in_dim3A_189 = vector.broadcast %broadcast_in_dim3A_188 : vector<1024x1xf32> to vector<1024x128xf32>
    %select_n3A_190 = arith.select %eq3A_187, %broadcast_in_dim3A_189, %select_n3A_178 : vector<1024x128xi1>, vector<1024x128xf32>
    %eq3A_191 = arith.constant 2 : i32
    %eq3A_192 = vector.broadcast %eq3A_191 : i32 to vector<1024x128xi32>
    %eq3A_193 = arith.cmpi eq, %iota3A_156, %eq3A_192 : vector<1024x128xi32>
    %broadcast_in_dim3A_194 = vector.shape_cast %min3A_117 : vector<1024x1xf32> to vector<1024x1xf32>
    %broadcast_in_dim3A_195 = vector.broadcast %broadcast_in_dim3A_194 : vector<1024x1xf32> to vector<1024x128xf32>
    %select_n3A_196 = arith.select %eq3A_193, %broadcast_in_dim3A_195, %select_n3A_184 : vector<1024x128xi1>, vector<1024x128xf32>
    %eq3A_197 = arith.constant 3 : i32
    %eq3A_198 = vector.broadcast %eq3A_197 : i32 to vector<1024x128xi32>
    %eq3A_199 = arith.cmpi eq, %iota3A_156, %eq3A_198 : vector<1024x128xi32>
    %broadcast_in_dim3A_200 = vector.shape_cast %max3A_136 : vector<1024x1xf32> to vector<1024x1xf32>
    %broadcast_in_dim3A_201 = vector.broadcast %broadcast_in_dim3A_200 : vector<1024x1xf32> to vector<1024x128xf32>
    %select_n3A_202 = arith.select %eq3A_199, %broadcast_in_dim3A_201, %select_n3A_190 : vector<1024x128xi1>, vector<1024x128xf32>
    %eq3A_203 = arith.constant 3 : i32
    %eq3A_204 = vector.broadcast %eq3A_203 : i32 to vector<1024x128xi32>
    %eq3A_205 = arith.cmpi eq, %iota3A_156, %eq3A_204 : vector<1024x128xi32>
    %broadcast_in_dim3A_206 = vector.shape_cast %min3A_155 : vector<1024x1xf32> to vector<1024x1xf32>
    %broadcast_in_dim3A_207 = vector.broadcast %broadcast_in_dim3A_206 : vector<1024x1xf32> to vector<1024x128xf32>
    %select_n3A_208 = arith.select %eq3A_205, %broadcast_in_dim3A_207, %select_n3A_196 : vector<1024x128xi1>, vector<1024x128xf32>
    %swap3A = arith.constant 0 : index
    %swap3A_209 = arith.constant 0 : index
    %swap3A_210 = vector.load %arg4[%swap3A, %swap3A_209] : memref<1024x128xf32, #tpu.memory_space<vmem>>, vector<1024x128xf32>
    tpu.vector_store %arg4[%swap3A, %swap3A_209], %select_n3A_202 {strides = array<i32>} : memref<1024x128xf32, #tpu.memory_space<vmem>>, vector<1024x128xf32>,
    %swap3A_211 = arith.constant 0 : index
    %swap3A_212 = arith.constant 0 : index
    %swap3A_213 = vector.load %arg5[%swap3A_211, %swap3A_212] : memref<1024x128xf32, #tpu.memory_space<vmem>>, vector<1024x128xf32>
    tpu.vector_store %arg5[%swap3A_211, %swap3A_212], %select_n3A_208 {strides = array<i32>} : memref<1024x128xf32, #tpu.memory_space<vmem>>, vector<1024x128xf32>,
    %eq3A_214 = arith.constant 7 : i32
    %eq3A_215 = arith.cmpi eq, %arg0, %eq3A_214 : i32
    %convert_element_type3A_216 = arith.extui %eq3A_215 : i1 to i32
    %cond3A_217 = arith.constant 0 : i32
    %cond3A_218 = arith.cmpi ne, %convert_element_type3A_216, %cond3A_217 : i32
    scf.if %cond3A_218 {
      %slice3A = vector.extract_strided_slice %select_n3A_208 {offsets = [0, 0], sizes = [1024, 4], strides = [1, 1]} : vector<1024x128xf32> to vector<1024x4xf32>
      %convert_element_type3A_219 = arith.fptosi %slice3A : vector<1024x4xf32> to vector<1024x4xi32>
      %swap3A_220 = arith.constant 0 : index
      %swap3A_221 = arith.constant 0 : index
      %swap3A_222 = vector.load %arg3[%swap3A_220, %swap3A_221] : memref<1024x4xi32, #tpu.memory_space<vmem>>, vector<1024x4xi32>
      tpu.vector_store %arg3[%swap3A_220, %swap3A_221], %convert_element_type3A_219 {strides = array<i32>} : memref<1024x4xi32, #tpu.memory_space<vmem>>, vector<1024x4xi32>,
    } else {
    }
    return
  }
  func.func @transform_0(%arg0: i32) -> (i32, i32) {
    %c0_i32 = arith.constant 0 : i32
    %c0_i32_0 = arith.constant 0 : i32
    %c0_i32_1 = arith.constant 0 : i32
    return %c0_i32, %c0_i32_0 : i32, i32
  }
  func.func @transform_1(%arg0: i32) -> (i32, i32) {
    %c0_i32 = arith.constant 0 : i32
    %c0_i32_0 = arith.constant 0 : i32
    return %arg0, %c0_i32 : i32, i32
  }
  func.func @transform_2(%arg0: i32) -> (i32, i32) {
    %c0_i32 = arith.constant 0 : i32
    %c0_i32_0 = arith.constant 0 : i32
    %c0_i32_1 = arith.constant 0 : i32
    return %c0_i32, %c0_i32_0 : i32, i32
  }
}

</mosaic_0001>

<sc_bundles>
// kernel: kernel.4.cloned.1.call-start
scs
__scs_entry_jumppad:
0x0: {  	(pc) =	sbr.rel $0x88, $3  }
0x1: {  	(tag) =	ssettag $0x0;
	lr =	simm.s32 $0x1  }
0x2: {  	[smem:$0x3F9F] =	sst lr;
	_ =	strace $0xD0000000  }
0x3: {  	_ = 	snop  }
0x4: {  	_ = 	snop  }
0x5: {  	_ = 	snop  }
0x6: {  	_ = 	snop  }
0x7: {  	_ = 	snop  }
__scs_overlays_trampoline_lowered:
0x8: {  	[smem:$0x3FAE] =	sst s0  }
0x9: {  	[smem:$0x3FAF] =	sst s1  }
0xa: {  	[smem:$0x3FB0] =	sst s2  }
0xb: {  	[smem:$0x3FB1] =	sst s3  }
0xc: {  	[smem:$0x3FB2] =	sst s4  }
0xd: {  	[smem:$0x3FB3] =	sst s5  }
0xe: {  	[smem:$0x3FB4] =	sst s6  }
0xf: {  	[smem:$0x3FB5] =	sst s7  }
0x10: {  	[smem:$0x3FB6] =	sst s8  }
0x11: {  	[smem:$0x3FB7] =	sst s9;
	s0 =	simm.s32 @!p0 $0x0  }
0x12: {  	s1 =	sld [smem:$0x3F9D];
	s0 =	simm.s32 @p0 $0x1  }
0x13: {  	[smem:$0x3FB8] =	sst s0;
	s0 =	simm.s32 @!p1 $0x0  }
0x14: {  	s2 =	sld [smem:$0x3F9C];
	s0 =	simm.s32 @p1 $0x1  }
0x15: {  	[smem:$0x3FB9] =	sst s0;
	s0 =	simm.s32 @!p2 $0x0  }
0x16: {  	s3 =	sld [smem:$0x3FDB];
	s0 =	simm.s32 @p2 $0x1  }
0x17: {  	s4 =	simm.s32 $0x1BF5;
	[smem:$0x3FBB] =	sst s0  }
0x18: {  	s0 =	sld [smem:$0x3F9E];
	_ =	swait.ge [sflag:s4], $0x0  }
0x19: {  	s7 =	sld [smem:$0x3F9F]  }
0x1a: {  	s8 =	sadd.s32 $0xFFFFE003, lr  }
0x1b: {  	s9 =	sadd.s32 $0xFFFFFEF7, lr;
	s5 =	simm.s32 $0xFFFFFFFF;
	p2 =	slt.u32 s8, $0xFFFFF086  }
0x1c: {  	p1 =	slt.u32 s9, $0xF7A;
	s5 =	simm.s32 @!p2 $0x0  }
0x1d: {  	s5 =	simm.s32 @p1 $0x1;
	p0 =	seq.s32 s7, s2  }
0x1e: {  	s7 =	smul.u32 @!p0 $0xF7A, s2;
	p2 =	seq.s32 @!p0 s5, $0x0  }
0x1f: {  	s9 =	smul.u32 $0xF7A, s1;
	s8 =	simm.s32 @!p0 $0x1BF5;
	p2 =	por !p2, p0  }
0x20: {  	[sflag:s8] =	ssyncset.s32 @!p0 $0xFFFFF086;
	s6 =	sadd.s32 @!p0 s3, s7;
	s7 =	simm.s32 @!p0 $0x108  }
0x21: {  	s3 =	sadd.s32 s3, s9;
	s6 =	sadd.s32 @!p0 $0x88, s6;
	s7 =	simm.s32 @p2 $0x1082  }
0x22: {  	[simem:s7], [sflag:s8] =	dma.local @!p0 [hbm:s6], $0xF7A  }
0x23: {  	s9 =	sor.u32 $0xD0000000, s2;
	s6 =	simm.s32 $0x108;
	_ =	swait.ge @!p0 [sflag:s8], $0x0  }
0x24: {  	s3 =	sadd.s32 $0x88, s3;
	s6 =	simm.s32 @!p1 $0x1082;
	[sflag:s4] =	ssyncset.s32 $0xFFFFF086  }
0x25: {  	[simem:s6], [sflag:s4] =	dma.local [hbm:s3], $0xF7A  }
0x26: {  	[smem:$0x3F9F] =	sst s1;
	(tag) =	ssettag s2;
	_ =	strace s9  }
0x27: {  	s1 =	sld [smem:$0x3FAF]  }
0x28: {  	s2 =	sld [smem:$0x3FB0]  }
0x29: {  	s4 =	sld [smem:$0x3FB2]  }
0x2a: {  	p0 =	seq.s32 s5, $0x0;
	s5 =	sld [smem:$0x3FB3]  }
0x2b: {  	s6 =	sld [smem:$0x3FB4]  }
0x2c: {  	s7 =	sld [smem:$0x3FB5]  }
0x2d: {  	s3 =	simm.s32 $0x108;
	s8 =	sld [smem:$0x3FB6]  }
0x2e: {  	s3 =	simm.s32 @!p0 $0x1082;
	s9 =	sld [smem:$0x3FB7]  }
0x2f: {  	lr =	sadd.s32 s0, s3;
	s0 =	sld [smem:$0x3FAE]  }
0x30: {  	s3 =	sld [smem:$0x3FB1]  }
0x31: {  	[smem:$0x3FBA] =	sst s10  }
0x32: {  	s10 =	sld [smem:$0x3FB8];
	_ =	sdelay $0x3  }
0x33: {  	p0 =	seq.s32 s10, $0x1;
	s10 =	sld [smem:$0x3FBA];
	_ =	sdelay $0x3  }
0x34: {  	[smem:$0x3FBA] =	sst s10  }
0x35: {  	s10 =	sld [smem:$0x3FB9];
	_ =	sdelay $0x3  }
0x36: {  	p1 =	seq.s32 s10, $0x1;
	s10 =	sld [smem:$0x3FBA];
	_ =	sdelay $0x3  }
0x37: {  	[smem:$0x3FBA] =	sst s10  }
0x38: {  	s10 =	sld [smem:$0x3FBB]  }
0x39: {  	_ = 	snop;
	(pc) =	sbr.ind lr, $3  }
0x3a: {  	_ = 	snop  }
0x3b: {  	_ = 	snop  }
0x3c: {  	p2 =	seq.s32 s10, $0x1;
	s10 =	sld [smem:$0x3FBA]  }
0x3d: {  	_ =	shalt  }
0x3e: {  	_ =	shalt  }
0x3f: {  	_ =	shalt  }
0x40: {  	_ =	shalt  }
0x41: {  	_ =	shalt  }
0x42: {  	_ =	shalt  }
0x43: {  	_ =	shalt  }
0x44: {  	_ =	shalt  }
0x45: {  	_ =	shalt  }
0x46: {  	_ =	shalt  }
0x47: {  	_ =	shalt  }
0x48: {  	_ =	shalt  }
0x49: {  	_ =	shalt  }
0x4a: {  	_ =	shalt  }
0x4b: {  	_ =	shalt  }
0x4c: {  	_ =	shalt  }
0x4d: {  	_ =	shalt  }
0x4e: {  	_ =	shalt  }
0x4f: {  	_ =	shalt  }
0x50: {  	_ =	shalt  }
0x51: {  	_ =	shalt  }
0x52: {  	_ =	shalt  }
0x53: {  	_ =	shalt  }
0x54: {  	_ =	shalt  }
0x55: {  	_ =	shalt  }
0x56: {  	_ =	shalt  }
0x57: {  	_ =	shalt  }
0x58: {  	_ =	shalt  }
0x59: {  	_ =	shalt  }
0x5a: {  	_ =	shalt  }
0x5b: {  	_ =	shalt  }
0x5c: {  	_ =	shalt  }
0x5d: {  	_ =	shalt  }
0x5e: {  	_ =	shalt  }
0x5f: {  	_ =	shalt  }
0x60: {  	_ =	shalt  }
0x61: {  	_ =	shalt  }
0x62: {  	_ =	shalt  }
0x63: {  	_ =	shalt  }
0x64: {  	_ =	shalt  }
0x65: {  	_ =	shalt  }
0x66: {  	_ =	shalt  }
0x67: {  	_ =	shalt  }
0x68: {  	_ =	shalt  }
0x69: {  	_ =	shalt  }
0x6a: {  	_ =	shalt  }
0x6b: {  	_ =	shalt  }
0x6c: {  	_ =	shalt  }
0x6d: {  	_ =	shalt  }
0x6e: {  	_ =	shalt  }
0x6f: {  	_ =	shalt  }
0x70: {  	_ =	shalt  }
0x71: {  	_ =	shalt  }
0x72: {  	_ =	shalt  }
0x73: {  	_ =	shalt  }
0x74: {  	_ =	shalt  }
0x75: {  	_ =	shalt  }
0x76: {  	_ =	shalt  }
0x77: {  	_ =	shalt  }
0x78: {  	_ =	shalt  }
0x79: {  	_ =	shalt  }
0x7a: {  	_ =	shalt  }
0x7b: {  	_ =	shalt  }
0x7c: {  	_ =	shalt  }
0x7d: {  	_ =	shalt  }
0x7e: {  	_ =	shalt  }
0x7f: {  	_ =	shalt  }
0x80: {  	_ =	shalt  }
0x81: {  	_ =	shalt  }
0x82: {  	_ =	shalt  }
0x83: {  	_ =	shalt  }
0x84: {  	_ =	shalt  }
0x85: {  	_ =	shalt  }
0x86: {  	_ =	shalt  }
0x87: {  	_ =	shalt  }
.Lfunc_end0:
.L_simem_size_0:
called_computation_lowered:
.L_overlay_start_0:
0x88: {  	s2 =	sld [smem:$0x3FD9]  }
0x89: {  	s3 =	sld [smem:$0x3FFE];
	_ =	sdelay $0x1  }
0x8a: {  	s1 =	srdreg.scid  }
0x8b: {  	s0 =	sand.u32 $0x1, s1  }
0x8c: {  	s17 =	sshll.u32 s0, $0xA;
	s2 =	sadd.s32 s3, s2  }
0x8d: {  	s2 =	sadd.s32 s2, s17  }
0x8e: {  	[smem:$0x3FC6] =	sst s2  }
0x8f: {  	_ = 	snop  }
0x90: {  	s2 =	sld [smem:$0x3FC8]  }
0x91: {  	s18 =	sld [smem:$0x3FD0];
	(tm) =	ssettm $0x1  }
0x92: {  	s4 =	sld [smem:$0x3FFB];
	_ =	sdelay $0x3  }
0x93: {  	_ =	strace s4  }
0x94: {  	s4 =	sld [smem:$0x3FFC];
	_ =	sdelay $0x3  }
0x95: {  	_ =	strace s4  }
0x96: {  	s4 =	sld [smem:$0x3FFD];
	_ =	sdelay $0x3  }
0x97: {  	_ =	strace s4  }
0x98: {  	_ =	strace $0x8FFFFFFF  }
0x99: {  	s19 =	sld [smem:$0x3FDB];
	_ =	sdelay $0x1  }
0x9a: {  	s5 =	simm.s32 $_scs_section_size  }
0x9b: {  	s6 =	simm.s32 $_size__tile_overlayer_lowered;
	s7 =	simm.s32 $_tile_overlayer_lowered  }
0x9c: {  	s22 =	simm.s32 $0x1BFF;
	s21 =	sshll.u32 s7, $0x1;
	s4 =	sadd.s32 s5, s19  }
0x9d: {  	s8 =	simm.s32 $0x0;
	s20 =	sshll.u32 s6, $0x1;
	s6 =	sadd.s32 s21, s4  }
0x9e: {  	[timem:s8], [sflag:s22] =	dma.local [hbm:s6], s20  }
0x9f: {  	_ =	swait.ge [sflag:s22], s20  }
0xa0: {  	s5 =	ssub.s32 $0x0, s20;
	[sflag:s22] =	ssyncset.done $0x0  }
0xa1: {  	[sflag:s22] =	ssyncadd.s32 s5;
	_ =	sdelay $0x1  }
0xa2: {  	s23 =	simm.s32 $0x1B8B  }
0xa3: {  	_ =	swait.ge [sflag:s23], $0x1  }
0xa4: {  	[sflag:s23] =	ssyncset.done $0x0  }
0xa5: {  	s25 =	simm.s32 $0x1B8E;
	s24 =	sld [smem:$0x3FFE];
	[sflag:s23] =	ssyncadd.s32 $0xFFFFFFFF  }
0xa6: {  	s26 =	simm.s32 $execute0_lowered;
	[smem:$0x3FD2] =	sst s25  }
0xa7: {  	s6 =	sshll.u32 s26, $0x1;
	_ =	strace $0x80000046;
	[dreg:$0x1] =	wrdreg $0xFFFFFFFF  }
0xa8: {  	s28 =	simm.s32 $_size_execute0_lowered;
	s4 =	sadd.s32 s4, s6;
	[dreg:$0x0] =	wrdreg $0x0  }
0xa9: {  	s6 =	sshll.u32 s28, $0x1;
	[dreg:$0x2] =	wrdreg s4  }
0xaa: {  	[dreg:$0x3] =	wrdreg s6  }
0xab: {  	[dreg:$0x4] =	wrdreg $0xC0  }
0xac: {  	_ =	task [dreg:s8], $0x5FFFF  }
0xad: {  	[dreg:$0x1] =	wrdreg $0xFFFFFFFF  }
0xae: {  	[dreg:$0x0] =	wrdreg $0x60  }
0xaf: {  	[dreg:$0x2] =	wrdreg s2  }
0xb0: {  	[dreg:$0x3] =	wrdreg s24  }
0xb1: {  	[dreg:$0x4] =	wrdreg s18  }
0xb2: {  	[dreg:$0x5] =	wrdreg $0x9  }
0xb3: {  	_ =	task.clear_ibuf [dreg:s8], $0x6FFFF;
	_ =	strace $0x90000046  }
0xb4: {  	s29 =	simm.s32 $0x9;
	_ =	strace $0x80000048  }
0xb5: {  	_ =	swait.ge [sflag:s29], $0x1  }
0xb6: {  	[sflag:s29] =	ssyncadd.s32 $0xFFFFFFFF  }
0xb7: {  	_ =	strace $0x90000048  }
0xb8: {  	_ =	sfence  }
0xb9: {  	s30 =	sld [smem:$0x0];
	_ =	sdelay $0x2  }
0xba: {  	s31 =	sshll.u32 s1, $0xD;
	s1 =	sshrl.u32 s1, $0x2  }
0xbb: {  	s3 =	sand.u32 $0x4000, s31;
	s1 =	sadd.s32 s1, s30  }
0xbc: {  	s0 =	sor.u32 s3, s0;
	s1 =	sshll.u32 s1, $0x11  }
0xbd: {  	s0 =	sor.u32 s1, s0  }
0xbe: {  	s0 =	sadd.s32 $0x8F2B, s0  }
0xbf: {  	[sflag:s0] =	ssyncadd.remote.s32 $0x1  }
0xc0: {  	_ =	sfence.sel $0xFFFF  }
0xc1: {  	[dreg:$0x0] =	wrdreg $0xFFFFFFFF;
	(pc) =	sbr.abs _section_cstart, $3  }
0xc2: {  	[dreg:$0x1] =	wrdreg $0xFFFFFFFF  }
0xc3: {  	_ =	task.clear_ibuf [dreg:s8], $0x2FFFF;
	_ =	strace $0x9FFFFFFF  }
0xc4: {  	(tm) =	ssettm $0x7FFFFFFF  }
0xc5: {  	_ =	shalt  }
tec
execute0_lowered:
.L_overlay_start_1:
0x0: {  	(tag) =	ssettag $0x1  }
0x1: {  	s1 =	rddreg [dreg:$0x0]  }
0x2: {  	s0 =	rddreg [dreg:$0x1]  }
0x3: {  	s2 =	rddreg [dreg:$0x2];
	s3 =	simm.s32 $0x0  }
0x4: {  	s4 =	srdreg.scid;
	s6 =	stileid.u32;
	s16 =	simm.s32 $0x3  }
0x5: {  	s28 =	simm.s32 $0xE900;
	s29 =	simm.s32 $0xF100;
	s12 =	simm.s32 $0xF900  }
0x6: {  	s30 =	simm.s32 $0x10100;
	s13 =	simm.s32 $0x2;
	s31 =	simm.s32 $0x0  }
0x7: {  	[smem:$0x7FF] =	sst s3;
	s4 =	sand.u32 $0x1, s4;
	s6 =	sshll.u32 s6, $0x1  }
0x8: {  	s0 =	sadd.s32 $0x400, s0;
	_ =	strace $0x80000047;
	s5 =	ssub.s32 $0x2, s4  }
0x9: {  	s4 =	sor.u32 s4, s6;
	s6 =	sadd.s32 $0x200, s1;
	s7 =	sshrl.u32 s5, $0x1  }
0xa: {  	s9 =	sshll.u32 s4, $0x5;
	s18 =	sshll.u32 s4, $0x4;
	s4 =	sshll.u32 s4, $0xC  }
0xb: {  	s8 =	ssub.s32 s5, s7;
	s5 =	sadd.s32 s0, s18;
	s10 =	sor.u32 $0x8, s9  }
0xc: {  	s7 =	sadd.s32 $0x300, s1;
	s19 =	sor.u32 $0x10, s9;
	s4 =	sadd.s32 s2, s4  }
0xd: {  	s22 =	sor.u32 $0x18, s9;
	[dreg:$0x4] =	wrdreg s5;
	s5 =	sadd.s32 $0x100, s1  }
0xe: {  	s11 =	sshrl.u32 s10, $0x1;
	[dreg:$0x6] =	wrdreg s4;
	s20 =	sshrl.u32 s19, $0x1  }
0xf: {  	s10 =	sshll.u32 s10, $0x7;
	s9 =	sshrl.u32 s22, $0x1;
	s23 =	sshll.u32 s19, $0x7  }
0x10: {  	s26 =	smax.u32 s8, $0x1;
	s19 =	simm.s32 $0x9100;
	s11 =	sadd.s32 s0, s11  }
0x11: {  	s4 =	sadd.s32 s0, s20;
	s21 =	sadd.s32 s2, s10;
	[dreg:$0xc] =	wrdreg s26  }
0x12: {  	s0 =	sadd.s32 s0, s9;
	s24 =	sadd.s32 s2, s23;
	[dreg:$0x5] =	wrdreg s11  }
0x13: {  	s9 =	simm.s32 $0x9900;
	s20 =	simm.s32 $0xA100;
	[dreg:$0x7] =	wrdreg s4  }
0x14: {  	s10 =	simm.s32 $0xB900;
	s23 =	simm.s32 $0xC100;
	[dreg:$0x8] =	wrdreg s21  }
0x15: {  	s26 =	simm.s32 $0xE100;
	s4 =	sshll.u32 s22, $0x7;
	[dreg:$0x9] =	wrdreg s0  }
0x16: {  	v2 =	vlaneseq.u32;
	[dreg:$0xa] =	wrdreg s24;
	s21 =	simm.s32 $0xA900;
	s22 =	simm.s32 $0xB100  }
0x17: {  	vm0 =	vmmov $0xffff;
	v1 =	vshrl.u32 v2, $0x3;
	s11 =	simm.s32 $0xC900;
	s24 =	simm.s32 $0xD100;
	s25 =	sadd.s32 s2, s4  }
0x18: {  	v0 =	vand.u32 $0x7, v2;
	v2 =	vor.u32 $0x8, v2;
	v1 =	vmul.u32 $0x8, v1;
	s4 =	simm.s32 $0x1;
	[dreg:$0xb] =	wrdreg s25;
	s25 =	simm.s32 $0xD900  }
.LBB2_1:
0x19: {  	s0 =	rddreg [dreg:$0x4]  }
0x1a: {  	[tilespmem:s3], [sflag:$0x3] =	stream.linear.gather [hbm4b:s0+s3], $0x20, $0x38;
	[tilespmem:$0x12100] =	vst v63  }
0x1b: {  	_ =	swait.ge [sflag:s16], $0x20  }
0x1c: {  	[sflag:s16] =	ssyncset.done $0x0  }
0x1d: {  	[sflag:s16] =	ssyncadd.s32 $0xFFFFFFE0  }
0x1e: {  	v3 =	vld [tilespmem:$0x0];
	_ =	sdelay $0x4  }
0x1f: {  	v4 =	vshll.u32 v3, $0x3  }
0x20: {  	v3 =	vand.u32 $0x7, v3;
	v4 =	vand.u32 $0xFFFFFFC0, v4  }
0x21: {  	v3 =	vor.u32 v3, v4  }
0x22: {  	v4 =	vperm.xlane v3, v0;
	_ =	sdelay $0x1  }
0x23: {  	v4 =	vadd.s32 v1, v4;
	_ =	sdelay $0x3  }
0x24: {  	s15 =	simm.s32 $0x100  }
0x25: {  	[tilespmem:s15], [sflag:$0x1] =	stream.indirect_vreg.gather [hbm4b:s1+s3], $0x80, v4, vm0, $0xb8;
	[tilespmem:$0x12100] =	vst v63  }
0x26: {  	s17 =	simm.s32 $0x900;
	v3 =	vperm.xlane v3, v2  }
0x27: {  	[tilespmem:s17], [sflag:$0x1] =	stream.indirect_vreg.gather [hbm4b:s5+s3], $0x80, v4, vm0, $0xb8;
	[tilespmem:$0x12100] =	vst v63  }
0x28: {  	s18 =	simm.s32 $0x1100;
	v3 =	vadd.s32 v1, v3  }
0x29: {  	[tilespmem:s18], [sflag:$0x1] =	stream.indirect_vreg.gather [hbm4b:s6+s3], $0x80, v4, vm0, $0xb8;
	[tilespmem:$0x12100] =	vst v63  }
0x2a: {  	s2 =	simm.s32 $0x1900  }
0x2b: {  	[tilespmem:s2], [sflag:$0x1] =	stream.indirect_vreg.gather [hbm4b:s7+s3], $0x80, v4, vm0, $0xb8;
	[tilespmem:$0x12100] =	vst v63  }
0x2c: {  	s8 =	simm.s32 $0x2100  }
0x2d: {  	[tilespmem:s8], [sflag:$0x1] =	stream.indirect_vreg.gather [hbm4b:s1+s3], $0x80, v3, vm0, $0xb8;
	[tilespmem:$0x12100] =	vst v63  }
0x2e: {  	s14 =	simm.s32 $0x2900  }
0x2f: {  	[tilespmem:s14], [sflag:$0x1] =	stream.indirect_vreg.gather [hbm4b:s5+s3], $0x80, v3, vm0, $0xb8;
	[tilespmem:$0x12100] =	vst v63  }
0x30: {  	s15 =	simm.s32 $0x3100  }
0x31: {  	[tilespmem:s15], [sflag:$0x1] =	stream.indirect_vreg.gather [hbm4b:s6+s3], $0x80, v3, vm0, $0xb8;
	[tilespmem:$0x12100] =	vst v63  }
0x32: {  	s17 =	simm.s32 $0x3900  }
0x33: {  	[tilespmem:s17], [sflag:$0x1] =	stream.indirect_vreg.gather [hbm4b:s7+s3], $0x80, v3, vm0, $0xb8;
	[tilespmem:$0x12100] =	vst v63  }
0x34: {  	v3 =	vld [tilespmem:$0x10];
	_ =	sdelay $0x4  }
0x35: {  	v4 =	vshll.u32 v3, $0x3  }
0x36: {  	v3 =	vand.u32 $0x7, v3;
	v4 =	vand.u32 $0xFFFFFFC0, v4  }
0x37: {  	v3 =	vor.u32 v3, v4  }
0x38: {  	v4 =	vperm.xlane v3, v0;
	_ =	sdelay $0x1  }
0x39: {  	v4 =	vadd.s32 v1, v4;
	_ =	sdelay $0x3  }
0x3a: {  	s18 =	simm.s32 $0x4100  }
0x3b: {  	[tilespmem:s18], [sflag:$0x1] =	stream.indirect_vreg.gather [hbm4b:s1+s3], $0x80, v4, vm0, $0xb8;
	[tilespmem:$0x12100] =	vst v63  }
0x3c: {  	s2 =	simm.s32 $0x4900;
	v3 =	vperm.xlane v3, v2  }
0x3d: {  	[tilespmem:s2], [sflag:$0x1] =	stream.indirect_vreg.gather [hbm4b:s5+s3], $0x80, v4, vm0, $0xb8;
	[tilespmem:$0x12100] =	vst v63  }
0x3e: {  	s8 =	simm.s32 $0x5100;
	v3 =	vadd.s32 v1, v3  }
0x3f: {  	[tilespmem:s8], [sflag:$0x1] =	stream.indirect_vreg.gather [hbm4b:s6+s3], $0x80, v4, vm0, $0xb8;
	[tilespmem:$0x12100] =	vst v63  }
0x40: {  	s14 =	simm.s32 $0x5900  }
0x41: {  	[tilespmem:s14], [sflag:$0x1] =	stream.indirect_vreg.gather [hbm4b:s7+s3], $0x80, v4, vm0, $0xb8;
	[tilespmem:$0x12100] =	vst v63  }
0x42: {  	s15 =	simm.s32 $0x6100  }
0x43: {  	[tilespmem:s15], [sflag:$0x1] =	stream.indirect_vreg.gather [hbm4b:s1+s3], $0x80, v3, vm0, $0xb8;
	[tilespmem:$0x12100] =	vst v63  }
0x44: {  	s17 =	simm.s32 $0x6900  }
0x45: {  	[tilespmem:s17], [sflag:$0x1] =	stream.indirect_vreg.gather [hbm4b:s5+s3], $0x80, v3, vm0, $0xb8;
	[tilespmem:$0x12100] =	vst v63  }
0x46: {  	s18 =	simm.s32 $0x7100  }
0x47: {  	[tilespmem:s18], [sflag:$0x1] =	stream.indirect_vreg.gather [hbm4b:s6+s3], $0x80, v3, vm0, $0xb8;
	[tilespmem:$0x12100] =	vst v63  }
0x48: {  	s2 =	simm.s32 $0x7900  }
0x49: {  	[tilespmem:s2], [sflag:$0x1] =	stream.indirect_vreg.gather [hbm4b:s7+s3], $0x80, v3, vm0, $0xb8;
	[tilespmem:$0x12100] =	vst v63  }
0x4a: {  	_ =	swait.ge [sflag:s4], $0x8000  }
0x4b: {  	[sflag:s4] =	ssyncset.done $0x0  }
0x4c: {  	s2 =	simm.s32 $0x80;
	s8 =	rddreg [dreg:$0x5];
	[sflag:s4] =	ssyncadd.s32 $0xFFFF8000  }
0x4d: {  	[tilespmem:s2], [sflag:$0x3] =	stream.linear.gather [hbm4b:s8+s3], $0x20, $0x38;
	[tilespmem:$0x12100] =	vst v63  }
0x4e: {  	_ =	swait.ge [sflag:s16], $0x20  }
0x4f: {  	[sflag:s16] =	ssyncset.done $0x0  }
0x50: {  	[sflag:s16] =	ssyncadd.s32 $0xFFFFFFE0  }
0x51: {  	v3 =	vld [tilespmem:$0x80];
	_ =	sdelay $0x4  }
0x52: {  	v4 =	vshll.u32 v3, $0x3  }
0x53: {  	v3 =	vand.u32 $0x7, v3;
	v4 =	vand.u32 $0xFFFFFFC0, v4  }
0x54: {  	v3 =	vor.u32 v3, v4  }
0x55: {  	v4 =	vperm.xlane v3, v0;
	_ =	sdelay $0x1  }
0x56: {  	v4 =	vadd.s32 v1, v4;
	_ =	sdelay $0x3  }
0x57: {  	s14 =	simm.s32 $0x8100  }
0x58: {  	[tilespmem:s14], [sflag:$0x2] =	stream.indirect_vreg.gather [hbm4b:s1+s3], $0x80, v4, vm0, $0xb8;
	[tilespmem:$0x12100] =	vst v63  }
0x59: {  	s15 =	simm.s32 $0x8900;
	v3 =	vperm.xlane v3, v2  }
0x5a: {  	[tilespmem:s15], [sflag:$0x2] =	stream.indirect_vreg.gather [hbm4b:s5+s3], $0x80, v4, vm0, $0xb8;
	[tilespmem:$0x12100] =	vst v63  }
0x5b: {  	v3 =	vadd.s32 v1, v3  }
0x5c: {  	[tilespmem:s19], [sflag:$0x2] =	stream.indirect_vreg.gather [hbm4b:s6+s3], $0x80, v4, vm0, $0xb8;
	[tilespmem:$0x12100] =	vst v63  }
0x5d: {  	_ = 	snop  }
0x5e: {  	[tilespmem:s9], [sflag:$0x2] =	stream.indirect_vreg.gather [hbm4b:s7+s3], $0x80, v4, vm0, $0xb8;
	[tilespmem:$0x12100] =	vst v63  }
0x5f: {  	_ = 	snop  }
0x60: {  	[tilespmem:s20], [sflag:$0x2] =	stream.indirect_vreg.gather [hbm4b:s1+s3], $0x80, v3, vm0, $0xb8;
	[tilespmem:$0x12100] =	vst v63  }
0x61: {  	_ = 	snop  }
0x62: {  	[tilespmem:s21], [sflag:$0x2] =	stream.indirect_vreg.gather [hbm4b:s5+s3], $0x80, v3, vm0, $0xb8;
	[tilespmem:$0x12100] =	vst v63  }
0x63: {  	_ = 	snop  }
0x64: {  	[tilespmem:s22], [sflag:$0x2] =	stream.indirect_vreg.gather [hbm4b:s6+s3], $0x80, v3, vm0, $0xb8;
	[tilespmem:$0x12100] =	vst v63  }
0x65: {  	_ = 	snop  }
0x66: {  	[tilespmem:s10], [sflag:$0x2] =	stream.indirect_vreg.gather [hbm4b:s7+s3], $0x80, v3, vm0, $0xb8;
	[tilespmem:$0x12100] =	vst v63  }
0x67: {  	v3 =	vld [tilespmem:$0x90];
	_ =	sdelay $0x4  }
0x68: {  	v4 =	vshll.u32 v3, $0x3  }
0x69: {  	v3 =	vand.u32 $0x7, v3;
	v4 =	vand.u32 $0xFFFFFFC0, v4  }
0x6a: {  	v3 =	vor.u32 v3, v4  }
0x6b: {  	v4 =	vperm.xlane v3, v0;
	_ =	sdelay $0x1  }
0x6c: {  	v4 =	vadd.s32 v1, v4;
	_ =	sdelay $0x4  }
0x6d: {  	[tilespmem:s23], [sflag:$0x2] =	stream.indirect_vreg.gather [hbm4b:s1+s3], $0x80, v4, vm0, $0xb8;
	[tilespmem:$0x12100] =	vst v63  }
0x6e: {  	v3 =	vperm.xlane v3, v2  }
0x6f: {  	[tilespmem:s11], [sflag:$0x2] =	stream.indirect_vreg.gather [hbm4b:s5+s3], $0x80, v4, vm0, $0xb8;
	[tilespmem:$0x12100] =	vst v63  }
0x70: {  	v3 =	vadd.s32 v1, v3  }
0x71: {  	[tilespmem:s24], [sflag:$0x2] =	stream.indirect_vreg.gather [hbm4b:s6+s3], $0x80, v4, vm0, $0xb8;
	[tilespmem:$0x12100] =	vst v63  }
0x72: {  	_ = 	snop  }
0x73: {  	[tilespmem:s25], [sflag:$0x2] =	stream.indirect_vreg.gather [hbm4b:s7+s3], $0x80, v4, vm0, $0xb8;
	[tilespmem:$0x12100] =	vst v63  }
0x74: {  	_ = 	snop  }
0x75: {  	[tilespmem:s26], [sflag:$0x2] =	stream.indirect_vreg.gather [hbm4b:s1+s3], $0x80, v3, vm0, $0xb8;
	[tilespmem:$0x12100] =	vst v63  }
0x76: {  	_ = 	snop  }
0x77: {  	[tilespmem:s28], [sflag:$0x2] =	stream.indirect_vreg.gather [hbm4b:s5+s3], $0x80, v3, vm0, $0xb8;
	[tilespmem:$0x12100] =	vst v63  }
0x78: {  	s17 =	sand.u32 $0x70, s3;
	s18 =	sand.u32 $0x1C00, s3  }
0x79: {  	[tilespmem:s29], [sflag:$0x2] =	stream.indirect_vreg.gather [hbm4b:s6+s3], $0x80, v3, vm0, $0xb8;
	[tilespmem:$0x12100] =	vst v63  }
0x7a: {  	s14 =	sor.u32 s17, s18  }
0x7b: {  	[tilespmem:s12], [sflag:$0x2] =	stream.indirect_vreg.gather [hbm4b:s7+s3], $0x80, v3, vm0, $0xb8;
	[tilespmem:$0x12100] =	vst v63  }
0x7c: {  	v6 =	vld [tilespmem:s14+$0x4180]  }
0x7d: {  	v7 =	vld [tilespmem:s14+$0x4100]  }
0x7e: {  	v8 =	vld [tilespmem:s14+$0x4200]  }
0x7f: {  	v10 =	vld [tilespmem:s14+$0x4280]  }
0x80: {  	v3 =	vld [tilespmem:s14+$0x380]  }
0x81: {  	v14 =	vld [tilespmem:s14+$0x300]  }
0x82: {  	v11 =	vld [tilespmem:s14+$0x2380]  }
0x83: {  	v4 =	vld [tilespmem:s14+$0x6280]  }
0x84: {  	v5 =	vld [tilespmem:s14+$0x6200]  }
0x85: {  	v9 =	vld [tilespmem:s14+$0x2480]  }
0x86: {  	v13 =	vld [tilespmem:s14+$0x2200]  }
0x87: {  	v12 =	vld [tilespmem:s14+$0x2180]  }
0x88: {  	s0 =	sor.u32 s3, s3;
	s2 =	simm.s32 $0x0;
	s15 =	simm.s32 $0x10;
	v3 =	vadd.f32 v3, v14;
	v14 =	vld [tilespmem:s14+$0x2300]  }
.LBB2_2:
0x89: {  	p0 =	sne.s32 s15, $0x3F0  }
0x8a: {  	v15 =	vld [tilespmem:s14+$0x2280];
	s2 =	sadd.s32 $0x80, s2;
	s8 =	smov.u32 s15;
	s15 =	sadd.s32 $0x10, s15  }
0x8b: {  	v8 =	vadd.f32 v10, v8;
	s17 =	sor.u32 s2, s8;
	v16 =	vld [tilespmem:s14+$0x280]  }
0x8c: {  	v6 =	vadd.f32 v6, v7;
	v10 =	vld [tilespmem:s14+$0x180]  }
0x8d: {  	v7 =	vld [tilespmem:s14+$0x2100]  }
0x8e: {  	v6 =	vadd.f32 v8, v6;
	v17 =	vld [tilespmem:s14+$0x2400]  }
0x8f: {  	v11 =	vadd.f32 v11, v14;
	v8 =	vld [tilespmem:s14+$0x100]  }
0x90: {  	v6 =	vmul.f32 $2.500000000e-01, v6;
	v13 =	vadd.f32 v15, v13;
	v14 =	vld [tilespmem:s14+$0x200]  }
0x91: {  	v15 =	vld [tilespmem:s14+$0x4480]  }
0x92: {  	v7 =	vadd.f32 v12, v7;
	v12 =	vld [tilespmem:s14+$0x4400]  }
0x93: {  	v9 =	vadd.f32 v9, v17;
	v17 =	vld [tilespmem:s14+$0x6180]  }
0x94: {  	v8 =	vadd.f32 v10, v8;
	v7 =	vadd.f32 v13, v7;
	v10 =	vld [tilespmem:s14+$0x6100]  }
0x95: {  	v13 =	vadd.f32 v16, v14;
	v9 =	vadd.f32 v9, v11;
	v11 =	vld [tilespmem:s14+$0x4380]  }
0x96: {  	v14 =	vld [tilespmem:s14+$0x4300]  }
0x97: {  	v7 =	vmul.f32 $2.500000000e-01, v7;
	v8 =	vadd.f32 v13, v8;
	v12 =	vadd.f32 v15, v12  }
0x98: {  	v13 =	vld [tilespmem:s14+$0x6480]  }
0x99: {  	v4 =	vadd.f32 v4, v5;
	v8 =	vmul.f32 $2.500000000e-01, v8;
	v10 =	vadd.f32 v17, v10;
	v5 =	vld [tilespmem:s14+$0x6400]  }
0x9a: {  	v15 =	vld [tilespmem:s14+$0x6380]  }
0x9b: {  	s18 =	sor.u32 $0x380, s0;
	s0 =	smov.u32 s17;
	v9 =	vmul.f32 $2.500000000e-01, v9;
	[tilespmem:s14+$0x10100] =	vst v8;
	v8 =	vld [tilespmem:s14+$0x400];
	v11 =	vadd.f32 v11, v14;
	v4 =	vadd.f32 v4, v10  }
0x9c: {  	s8 =	sand.u32 $0x70, s8;
	s17 =	sand.u32 $0x1C00, s2;
	v10 =	vld [tilespmem:s18+$0x100]  }
0x9d: {  	s8 =	sor.u32 s8, s17;
	[tilespmem:s14+$0x10200] =	vst v7;
	v7 =	vadd.f32 v12, v11;
	v4 =	vmul.f32 $2.500000000e-01, v4;
	v11 =	vld [tilespmem:s14+$0x6300]  }
0x9e: {  	[tilespmem:s14+$0x10280] =	vst v9  }
0x9f: {  	v7 =	vmul.f32 $2.500000000e-01, v7;
	[tilespmem:s14+$0x10400] =	vst v4  }
0xa0: {  	[tilespmem:s14+$0x10300] =	vst v6  }
0xa1: {  	v4 =	vadd.f32 v10, v8;
	[tilespmem:s14+$0x10380] =	vst v7  }
0xa2: {  	v5 =	vadd.f32 v13, v5;
	v6 =	vadd.f32 v15, v11  }
0xa3: {  	v3 =	vadd.f32 v4, v3  }
0xa4: {  	v4 =	vadd.f32 v5, v6  }
0xa5: {  	v3 =	vmul.f32 $2.500000000e-01, v3  }
0xa6: {  	v4 =	vmul.f32 $2.500000000e-01, v4  }
0xa7: {  	[tilespmem:s14+$0x10180] =	vst v3;
	s14 =	smov.u32 s8  }
0xa8: {  	[tilespmem:s18+$0x10100] =	vst v4  }
0xa9: {  	v6 =	vld [tilespmem:s14+$0x4180]  }
0xaa: {  	v7 =	vld [tilespmem:s14+$0x4100]  }
0xab: {  	v8 =	vld [tilespmem:s14+$0x4200]  }
0xac: {  	v10 =	vld [tilespmem:s14+$0x4280]  }
0xad: {  	v3 =	vld [tilespmem:s14+$0x380]  }
0xae: {  	v12 =	vld [tilespmem:s14+$0x300]  }
0xaf: {  	v11 =	vld [tilespmem:s14+$0x2380]  }
0xb0: {  	v4 =	vld [tilespmem:s14+$0x6280]  }
.Ltmp0:
0xb1: {  	v5 =	vld [tilespmem:s14+$0x6200];
	(pc) =	sbr.rel @p0 .LBB2_2-.Ltmp0, $4  }
0xb2: {  	v9 =	vld [tilespmem:s14+$0x2480]  }
0xb3: {  	v3 =	vadd.f32 v3, v12;
	v13 =	vld [tilespmem:s14+$0x2200]  }
0xb4: {  	v12 =	vld [tilespmem:s14+$0x2180]  }
0xb5: {  	v14 =	vld [tilespmem:s14+$0x2300]  }
0xb6: {  	v15 =	vld [tilespmem:s14+$0x2280]  }
0xb7: {  	v16 =	vld [tilespmem:s14+$0x280]  }
0xb8: {  	v17 =	vld [tilespmem:s14+$0x180]  }
0xb9: {  	v18 =	vld [tilespmem:s14+$0x2100]  }
0xba: {  	v19 =	vld [tilespmem:s14+$0x100]  }
0xbb: {  	v20 =	vld [tilespmem:s14+$0x200]  }
0xbc: {  	v21 =	vld [tilespmem:s14+$0x2400]  }
0xbd: {  	v22 =	vld [tilespmem:s14+$0x4480]  }
0xbe: {  	v23 =	vld [tilespmem:s14+$0x4400]  }
0xbf: {  	v24 =	vld [tilespmem:s14+$0x6180]  }
0xc0: {  	v59 =	vld [tilespmem:s14+$0x6100];
	v17 =	vadd.f32 v17, v19;
	v16 =	vadd.f32 v16, v20  }
0xc1: {  	v60 =	vld [tilespmem:s14+$0x4380]  }
0xc2: {  	v61 =	vld [tilespmem:s14+$0x4300];
	v16 =	vadd.f32 v16, v17  }
0xc3: {  	v62 =	vld [tilespmem:s14+$0x6400]  }
0xc4: {  	v63 =	vld [tilespmem:s14+$0x400];
	v13 =	vadd.f32 v15, v13;
	v12 =	vadd.f32 v12, v18;
	v16 =	vmul.f32 $2.500000000e-01, v16  }
0xc5: {  	v11 =	vadd.f32 v11, v14;
	v15 =	vld [tilespmem:s14+$0x6480]  }
0xc6: {  	s0 =	sor.u32 $0x380, s0;
	v9 =	vadd.f32 v9, v21;
	v12 =	vadd.f32 v13, v12;
	v13 =	vld [tilespmem:s14+$0x6380];
	[tilespmem:s14+$0x10100] =	vst v16  }
0xc7: {  	v8 =	vadd.f32 v10, v8;
	v14 =	vld [tilespmem:s0+$0x100]  }
0xc8: {  	v6 =	vadd.f32 v6, v7;
	v7 =	vadd.f32 v9, v11;
	v9 =	vld [tilespmem:s14+$0x6300]  }
0xc9: {  	v4 =	vadd.f32 v4, v5;
	v10 =	vadd.f32 v24, v59  }
0xca: {  	v5 =	vadd.f32 v22, v23;
	v11 =	vadd.f32 v60, v61  }
0xcb: {  	v6 =	vadd.f32 v8, v6;
	v4 =	vadd.f32 v4, v10;
	v12 =	vmul.f32 $2.500000000e-01, v12  }
0xcc: {  	v7 =	vmul.f32 $2.500000000e-01, v7;
	v5 =	vadd.f32 v5, v11;
	v8 =	vadd.f32 v14, v63  }
0xcd: {  	v4 =	vmul.f32 $2.500000000e-01, v4;
	v10 =	vadd.f32 v15, v62;
	[tilespmem:s14+$0x10200] =	vst v12;
	v9 =	vadd.f32 v13, v9  }
0xce: {  	v6 =	vmul.f32 $2.500000000e-01, v6;
	[tilespmem:s14+$0x10280] =	vst v7;
	v3 =	vadd.f32 v8, v3  }
0xcf: {  	v5 =	vmul.f32 $2.500000000e-01, v5;
	[tilespmem:s14+$0x10400] =	vst v4;
	v4 =	vadd.f32 v10, v9  }
0xd0: {  	[tilespmem:s14+$0x10300] =	vst v6;
	v3 =	vmul.f32 $2.500000000e-01, v3  }
0xd1: {  	[tilespmem:s14+$0x10380] =	vst v5;
	v4 =	vmul.f32 $2.500000000e-01, v4  }
0xd2: {  	[tilespmem:s14+$0x10180] =	vst v3  }
0xd3: {  	s2 =	rddreg [dreg:$0x6];
	[tilespmem:s0+$0x10100] =	vst v4;
	s0 =	simm.s32 $0x0  }
0xd4: {  	[hbm4b:s2+s0] =	stream.linear.scatter [tilespmem:s30], [sflag:$0x3], $0x2000, $0x38;
	[tilespmem:$0x12100] =	vst v63  }
0xd5: {  	_ =	swait.ge [sflag:s16], $0x2000  }
0xd6: {  	[sflag:s16] =	ssyncset.done $0x0  }
0xd7: {  	[sflag:s16] =	ssyncadd.s32 $0xFFFFE000  }
0xd8: {  	_ =	swait.ge [sflag:s13], $0x8000  }
0xd9: {  	[sflag:s13] =	ssyncset.done $0x0  }
0xda: {  	s15 =	rddreg [dreg:$0x7];
	[sflag:s13] =	ssyncadd.s32 $0xFFFF8000  }
0xdb: {  	[tilespmem:s0], [sflag:$0x3] =	stream.linear.gather [hbm4b:s15+s0], $0x20, $0x38;
	[tilespmem:$0x12100] =	vst v63  }
0xdc: {  	_ =	swait.ge [sflag:s16], $0x20  }
0xdd: {  	[sflag:s16] =	ssyncset.done $0x0  }
0xde: {  	[sflag:s16] =	ssyncadd.s32 $0xFFFFFFE0  }
0xdf: {  	v3 =	vld [tilespmem:$0x0];
	_ =	sdelay $0x4  }
0xe0: {  	v4 =	vshll.u32 v3, $0x3  }
0xe1: {  	v3 =	vand.u32 $0x7, v3;
	v4 =	vand.u32 $0xFFFFFFC0, v4  }
0xe2: {  	v3 =	vor.u32 v3, v4  }
0xe3: {  	v4 =	vperm.xlane v3, v0;
	_ =	sdelay $0x1  }
0xe4: {  	v4 =	vadd.s32 v1, v4;
	_ =	sdelay $0x3  }
0xe5: {  	s17 =	simm.s32 $0x100  }
0xe6: {  	[tilespmem:s17], [sflag:$0x1] =	stream.indirect_vreg.gather [hbm4b:s1+s0], $0x80, v4, vm0, $0xb8;
	[tilespmem:$0x12100] =	vst v63  }
0xe7: {  	s18 =	simm.s32 $0x900;
	v3 =	vperm.xlane v3, v2  }
0xe8: {  	[tilespmem:s18], [sflag:$0x1] =	stream.indirect_vreg.gather [hbm4b:s5+s0], $0x80, v4, vm0, $0xb8;
	[tilespmem:$0x12100] =	vst v63  }
0xe9: {  	s8 =	simm.s32 $0x1100;
	v3 =	vadd.s32 v1, v3  }
0xea: {  	[tilespmem:s8], [sflag:$0x1] =	stream.indirect_vreg.gather [hbm4b:s6+s0], $0x80, v4, vm0, $0xb8;
	[tilespmem:$0x12100] =	vst v63  }
0xeb: {  	s14 =	simm.s32 $0x1900  }
0xec: {  	[tilespmem:s14], [sflag:$0x1] =	stream.indirect_vreg.gather [hbm4b:s7+s0], $0x80, v4, vm0, $0xb8;
	[tilespmem:$0x12100] =	vst v63  }
0xed: {  	s15 =	simm.s32 $0x2100  }
0xee: {  	[tilespmem:s15], [sflag:$0x1] =	stream.indirect_vreg.gather [hbm4b:s1+s0], $0x80, v3, vm0, $0xb8;
	[tilespmem:$0x12100] =	vst v63  }
0xef: {  	s17 =	simm.s32 $0x2900  }
0xf0: {  	[tilespmem:s17], [sflag:$0x1] =	stream.indirect_vreg.gather [hbm4b:s5+s0], $0x80, v3, vm0, $0xb8;
	[tilespmem:$0x12100] =	vst v63  }
0xf1: {  	s18 =	simm.s32 $0x3100  }
0xf2: {  	[tilespmem:s18], [sflag:$0x1] =	stream.indirect_vreg.gather [hbm4b:s6+s0], $0x80, v3, vm0, $0xb8;
	[tilespmem:$0x12100] =	vst v63  }
0xf3: {  	s8 =	simm.s32 $0x3900  }
0xf4: {  	[tilespmem:s8], [sflag:$0x1] =	stream.indirect_vreg.gather [hbm4b:s7+s0], $0x80, v3, vm0, $0xb8;
	[tilespmem:$0x12100] =	vst v63  }
0xf5: {  	v3 =	vld [tilespmem:$0x10];
	_ =	sdelay $0x4  }
0xf6: {  	v4 =	vshll.u32 v3, $0x3  }
0xf7: {  	v3 =	vand.u32 $0x7, v3;
	v4 =	vand.u32 $0xFFFFFFC0, v4  }
0xf8: {  	v3 =	vor.u32 v3, v4  }
0xf9: {  	v4 =	vperm.xlane v3, v0;
	_ =	sdelay $0x1  }
0xfa: {  	v4 =	vadd.s32 v1, v4;
	_ =	sdelay $0x3  }
0xfb: {  	s14 =	simm.s32 $0x4100  }
0xfc: {  	[tilespmem:s14], [sflag:$0x1] =	stream.indirect_vreg.gather [hbm4b:s1+s0], $0x80, v4, vm0, $0xb8;
	[tilespmem:$0x12100] =	vst v63  }
0xfd: {  	s15 =	simm.s32 $0x4900;
	v3 =	vperm.xlane v3, v2  }
0xfe: {  	[tilespmem:s15], [sflag:$0x1] =	stream.indirect_vreg.gather [hbm4b:s5+s0], $0x80, v4, vm0, $0xb8;
	[tilespmem:$0x12100] =	vst v63  }
0xff: {  	s17 =	simm.s32 $0x5100;
	v3 =	vadd.s32 v1, v3  }
0x100: {  	[tilespmem:s17], [sflag:$0x1] =	stream.indirect_vreg.gather [hbm4b:s6+s0], $0x80, v4, vm0, $0xb8;
	[tilespmem:$0x12100] =	vst v63  }
0x101: {  	s18 =	simm.s32 $0x5900  }
0x102: {  	[tilespmem:s18], [sflag:$0x1] =	stream.indirect_vreg.gather [hbm4b:s7+s0], $0x80, v4, vm0, $0xb8;
	[tilespmem:$0x12100] =	vst v63  }
0x103: {  	s8 =	simm.s32 $0x6100  }
0x104: {  	[tilespmem:s8], [sflag:$0x1] =	stream.indirect_vreg.gather [hbm4b:s1+s0], $0x80, v3, vm0, $0xb8;
	[tilespmem:$0x12100] =	vst v63  }
0x105: {  	s14 =	simm.s32 $0x6900  }
0x106: {  	[tilespmem:s14], [sflag:$0x1] =	stream.indirect_vreg.gather [hbm4b:s5+s0], $0x80, v3, vm0, $0xb8;
	[tilespmem:$0x12100] =	vst v63  }
0x107: {  	s15 =	simm.s32 $0x7100;
	s18 =	sand.u32 $0x70, s0;
	s8 =	sand.u32 $0x1C00, s0  }
0x108: {  	[tilespmem:s15], [sflag:$0x1] =	stream.indirect_vreg.gather [hbm4b:s6+s0], $0x80, v3, vm0, $0xb8;
	[tilespmem:$0x12100] =	vst v63  }
0x109: {  	s17 =	simm.s32 $0x7900;
	s14 =	sor.u32 s18, s8  }
0x10a: {  	[tilespmem:s17], [sflag:$0x1] =	stream.indirect_vreg.gather [hbm4b:s7+s0], $0x80, v3, vm0, $0xb8;
	[tilespmem:$0x12100] =	vst v63  }
0x10b: {  	v6 =	vld [tilespmem:s14+$0xC180]  }
0x10c: {  	v7 =	vld [tilespmem:s14+$0xC100]  }
0x10d: {  	v8 =	vld [tilespmem:s14+$0xC200]  }
0x10e: {  	v10 =	vld [tilespmem:s14+$0xC280]  }
0x10f: {  	v3 =	vld [tilespmem:s14+$0x8380]  }
0x110: {  	v14 =	vld [tilespmem:s14+$0x8300]  }
0x111: {  	v11 =	vld [tilespmem:s14+$0xA380]  }
0x112: {  	v4 =	vld [tilespmem:s14+$0xE280]  }
0x113: {  	v5 =	vld [tilespmem:s14+$0xE200]  }
0x114: {  	v9 =	vld [tilespmem:s14+$0xA480]  }
0x115: {  	v13 =	vld [tilespmem:s14+$0xA200]  }
0x116: {  	v12 =	vld [tilespmem:s14+$0xA180]  }
0x117: {  	s2 =	simm.s32 $0x10;
	s15 =	sor.u32 s0, s0;
	v3 =	vadd.f32 v3, v14;
	v14 =	vld [tilespmem:s14+$0xA300]  }
.LBB2_4:
0x118: {  	p0 =	sne.s32 s2, $0x3F0  }
0x119: {  	v15 =	vld [tilespmem:s14+$0xA280];
	s0 =	sadd.s32 $0x80, s0;
	s8 =	smov.u32 s2;
	s2 =	sadd.s32 $0x10, s2  }
0x11a: {  	v8 =	vadd.f32 v10, v8;
	s17 =	sor.u32 s0, s8;
	v16 =	vld [tilespmem:s14+$0x8280]  }
0x11b: {  	v6 =	vadd.f32 v6, v7;
	v10 =	vld [tilespmem:s14+$0x8180]  }
0x11c: {  	v7 =	vld [tilespmem:s14+$0xA100]  }
0x11d: {  	v6 =	vadd.f32 v8, v6;
	v17 =	vld [tilespmem:s14+$0xA400]  }
0x11e: {  	v11 =	vadd.f32 v11, v14;
	v8 =	vld [tilespmem:s14+$0x8100]  }
0x11f: {  	v6 =	vmul.f32 $2.500000000e-01, v6;
	v13 =	vadd.f32 v15, v13;
	v14 =	vld [tilespmem:s14+$0x8200]  }
0x120: {  	v15 =	vld [tilespmem:s14+$0xC480]  }
0x121: {  	v7 =	vadd.f32 v12, v7;
	v12 =	vld [tilespmem:s14+$0xC400]  }
0x122: {  	v9 =	vadd.f32 v9, v17;
	v17 =	vld [tilespmem:s14+$0xE180]  }
0x123: {  	v8 =	vadd.f32 v10, v8;
	v7 =	vadd.f32 v13, v7;
	v10 =	vld [tilespmem:s14+$0xE100]  }
0x124: {  	v13 =	vadd.f32 v16, v14;
	v9 =	vadd.f32 v9, v11;
	v11 =	vld [tilespmem:s14+$0xC380]  }
0x125: {  	v14 =	vld [tilespmem:s14+$0xC300]  }
0x126: {  	v7 =	vmul.f32 $2.500000000e-01, v7;
	v8 =	vadd.f32 v13, v8;
	v12 =	vadd.f32 v15, v12  }
0x127: {  	v13 =	vld [tilespmem:s14+$0xE480]  }
0x128: {  	v4 =	vadd.f32 v4, v5;
	v8 =	vmul.f32 $2.500000000e-01, v8;
	v10 =	vadd.f32 v17, v10;
	v5 =	vld [tilespmem:s14+$0xE400]  }
0x129: {  	v15 =	vld [tilespmem:s14+$0xE380]  }
0x12a: {  	s18 =	sor.u32 $0x380, s15;
	s15 =	smov.u32 s17;
	v9 =	vmul.f32 $2.500000000e-01, v9;
	[tilespmem:s14+$0x10100] =	vst v8;
	v8 =	vld [tilespmem:s14+$0x8400];
	v11 =	vadd.f32 v11, v14;
	v4 =	vadd.f32 v4, v10  }
0x12b: {  	s8 =	sand.u32 $0x70, s8;
	s17 =	sand.u32 $0x1C00, s0;
	v10 =	vld [tilespmem:s18+$0x8100]  }
0x12c: {  	s8 =	sor.u32 s8, s17;
	[tilespmem:s14+$0x10200] =	vst v7;
	v7 =	vadd.f32 v12, v11;
	v4 =	vmul.f32 $2.500000000e-01, v4;
	v11 =	vld [tilespmem:s14+$0xE300]  }
0x12d: {  	[tilespmem:s14+$0x10280] =	vst v9  }
0x12e: {  	v7 =	vmul.f32 $2.500000000e-01, v7;
	[tilespmem:s14+$0x10400] =	vst v4  }
0x12f: {  	[tilespmem:s14+$0x10300] =	vst v6  }
0x130: {  	v4 =	vadd.f32 v10, v8;
	[tilespmem:s14+$0x10380] =	vst v7  }
0x131: {  	v5 =	vadd.f32 v13, v5;
	v6 =	vadd.f32 v15, v11  }
0x132: {  	v3 =	vadd.f32 v4, v3  }
0x133: {  	v4 =	vadd.f32 v5, v6  }
0x134: {  	v3 =	vmul.f32 $2.500000000e-01, v3  }
0x135: {  	v4 =	vmul.f32 $2.500000000e-01, v4  }
0x136: {  	[tilespmem:s14+$0x10180] =	vst v3;
	s14 =	smov.u32 s8  }
0x137: {  	[tilespmem:s18+$0x10100] =	vst v4  }
0x138: {  	v6 =	vld [tilespmem:s14+$0xC180]  }
0x139: {  	v7 =	vld [tilespmem:s14+$0xC100]  }
0x13a: {  	v8 =	vld [tilespmem:s14+$0xC200]  }
0x13b: {  	v10 =	vld [tilespmem:s14+$0xC280]  }
0x13c: {  	v3 =	vld [tilespmem:s14+$0x8380]  }
0x13d: {  	v12 =	vld [tilespmem:s14+$0x8300]  }
0x13e: {  	v11 =	vld [tilespmem:s14+$0xA380]  }
0x13f: {  	v4 =	vld [tilespmem:s14+$0xE280]  }
.Ltmp1:
0x140: {  	v5 =	vld [tilespmem:s14+$0xE200];
	(pc) =	sbr.rel @p0 .LBB2_4-.Ltmp1, $4  }
0x141: {  	v9 =	vld [tilespmem:s14+$0xA480]  }
0x142: {  	v3 =	vadd.f32 v3, v12;
	v13 =	vld [tilespmem:s14+$0xA200]  }
0x143: {  	v12 =	vld [tilespmem:s14+$0xA180]  }
0x144: {  	v14 =	vld [tilespmem:s14+$0xA300]  }
0x145: {  	v15 =	vld [tilespmem:s14+$0xA280]  }
0x146: {  	v16 =	vld [tilespmem:s14+$0x8280]  }
0x147: {  	v17 =	vld [tilespmem:s14+$0x8180]  }
0x148: {  	v18 =	vld [tilespmem:s14+$0xA100]  }
0x149: {  	v19 =	vld [tilespmem:s14+$0x8100]  }
0x14a: {  	v20 =	vld [tilespmem:s14+$0x8200]  }
0x14b: {  	v21 =	vld [tilespmem:s14+$0xA400]  }
0x14c: {  	v22 =	vld [tilespmem:s14+$0xC480]  }
0x14d: {  	v23 =	vld [tilespmem:s14+$0xC400]  }
0x14e: {  	v24 =	vld [tilespmem:s14+$0xE180]  }
0x14f: {  	v59 =	vld [tilespmem:s14+$0xE100];
	v17 =	vadd.f32 v17, v19;
	v16 =	vadd.f32 v16, v20  }
0x150: {  	v60 =	vld [tilespmem:s14+$0xC380]  }
0x151: {  	v61 =	vld [tilespmem:s14+$0xC300];
	v16 =	vadd.f32 v16, v17  }
0x152: {  	v62 =	vld [tilespmem:s14+$0xE400]  }
0x153: {  	v63 =	vld [tilespmem:s14+$0x8400];
	v13 =	vadd.f32 v15, v13;
	v12 =	vadd.f32 v12, v18;
	v16 =	vmul.f32 $2.500000000e-01, v16  }
0x154: {  	v11 =	vadd.f32 v11, v14;
	v15 =	vld [tilespmem:s14+$0xE480]  }
0x155: {  	s0 =	sor.u32 $0x380, s15;
	v9 =	vadd.f32 v9, v21;
	v12 =	vadd.f32 v13, v12;
	v13 =	vld [tilespmem:s14+$0xE380];
	[tilespmem:s14+$0x10100] =	vst v16  }
0x156: {  	v8 =	vadd.f32 v10, v8;
	v14 =	vld [tilespmem:s0+$0x8100]  }
0x157: {  	v6 =	vadd.f32 v6, v7;
	v7 =	vadd.f32 v9, v11;
	v9 =	vld [tilespmem:s14+$0xE300]  }
0x158: {  	v4 =	vadd.f32 v4, v5;
	v10 =	vadd.f32 v24, v59  }
0x159: {  	v5 =	vadd.f32 v22, v23;
	v11 =	vadd.f32 v60, v61  }
0x15a: {  	v6 =	vadd.f32 v8, v6;
	v4 =	vadd.f32 v4, v10;
	v12 =	vmul.f32 $2.500000000e-01, v12  }
0x15b: {  	v7 =	vmul.f32 $2.500000000e-01, v7;
	v5 =	vadd.f32 v5, v11;
	v8 =	vadd.f32 v14, v63  }
0x15c: {  	v4 =	vmul.f32 $2.500000000e-01, v4;
	v10 =	vadd.f32 v15, v62;
	[tilespmem:s14+$0x10200] =	vst v12;
	v9 =	vadd.f32 v13, v9  }
0x15d: {  	v6 =	vmul.f32 $2.500000000e-01, v6;
	[tilespmem:s14+$0x10280] =	vst v7;
	v3 =	vadd.f32 v8, v3  }
0x15e: {  	v5 =	vmul.f32 $2.500000000e-01, v5;
	[tilespmem:s14+$0x10400] =	vst v4;
	v4 =	vadd.f32 v10, v9  }
0x15f: {  	[tilespmem:s14+$0x10300] =	vst v6;
	v3 =	vmul.f32 $2.500000000e-01, v3  }
0x160: {  	[tilespmem:s14+$0x10380] =	vst v5;
	v4 =	vmul.f32 $2.500000000e-01, v4  }
0x161: {  	[tilespmem:s14+$0x10180] =	vst v3  }
0x162: {  	s2 =	rddreg [dreg:$0x8];
	[tilespmem:s0+$0x10100] =	vst v4;
	s0 =	simm.s32 $0x0  }
0x163: {  	[hbm4b:s2+s0] =	stream.linear.scatter [tilespmem:s30], [sflag:$0x3], $0x2000, $0x38;
	[tilespmem:$0x12100] =	vst v63  }
0x164: {  	_ =	swait.ge [sflag:s16], $0x2000  }
0x165: {  	[sflag:s16] =	ssyncset.done $0x0  }
0x166: {  	[sflag:s16] =	ssyncadd.s32 $0xFFFFE000  }
0x167: {  	_ =	swait.ge [sflag:s4], $0x8000  }
0x168: {  	[sflag:s4] =	ssyncset.done $0x0  }
0x169: {  	s8 =	simm.s32 $0x80;
	s18 =	rddreg [dreg:$0x9];
	[sflag:s4] =	ssyncadd.s32 $0xFFFF8000  }
0x16a: {  	[tilespmem:s8], [sflag:$0x3] =	stream.linear.gather [hbm4b:s18+s0], $0x20, $0x38;
	[tilespmem:$0x12100] =	vst v63  }
0x16b: {  	_ =	swait.ge [sflag:s16], $0x20  }
0x16c: {  	[sflag:s16] =	ssyncset.done $0x0  }
0x16d: {  	[sflag:s16] =	ssyncadd.s32 $0xFFFFFFE0  }
0x16e: {  	v3 =	vld [tilespmem:$0x80];
	_ =	sdelay $0x4  }
0x16f: {  	v4 =	vshll.u32 v3, $0x3  }
0x170: {  	v3 =	vand.u32 $0x7, v3;
	v4 =	vand.u32 $0xFFFFFFC0, v4  }
0x171: {  	v3 =	vor.u32 v3, v4  }
0x172: {  	v4 =	vperm.xlane v3, v0;
	_ =	sdelay $0x1  }
0x173: {  	v4 =	vadd.s32 v1, v4;
	_ =	sdelay $0x3  }
0x174: {  	s14 =	simm.s32 $0x8100  }
0x175: {  	[tilespmem:s14], [sflag:$0x2] =	stream.indirect_vreg.gather [hbm4b:s1+s0], $0x80, v4, vm0, $0xb8;
	[tilespmem:$0x12100] =	vst v63  }
0x176: {  	s15 =	simm.s32 $0x8900;
	v3 =	vperm.xlane v3, v2  }
0x177: {  	[tilespmem:s15], [sflag:$0x2] =	stream.indirect_vreg.gather [hbm4b:s5+s0], $0x80, v4, vm0, $0xb8;
	[tilespmem:$0x12100] =	vst v63  }
0x178: {  	v3 =	vadd.s32 v1, v3  }
0x179: {  	[tilespmem:s19], [sflag:$0x2] =	stream.indirect_vreg.gather [hbm4b:s6+s0], $0x80, v4, vm0, $0xb8;
	[tilespmem:$0x12100] =	vst v63  }
0x17a: {  	_ = 	snop  }
0x17b: {  	[tilespmem:s9], [sflag:$0x2] =	stream.indirect_vreg.gather [hbm4b:s7+s0], $0x80, v4, vm0, $0xb8;
	[tilespmem:$0x12100] =	vst v63  }
0x17c: {  	_ = 	snop  }
0x17d: {  	[tilespmem:s20], [sflag:$0x2] =	stream.indirect_vreg.gather [hbm4b:s1+s0], $0x80, v3, vm0, $0xb8;
	[tilespmem:$0x12100] =	vst v63  }
0x17e: {  	_ = 	snop  }
0x17f: {  	[tilespmem:s21], [sflag:$0x2] =	stream.indirect_vreg.gather [hbm4b:s5+s0], $0x80, v3, vm0, $0xb8;
	[tilespmem:$0x12100] =	vst v63  }
0x180: {  	_ = 	snop  }
0x181: {  	[tilespmem:s22], [sflag:$0x2] =	stream.indirect_vreg.gather [hbm4b:s6+s0], $0x80, v3, vm0, $0xb8;
	[tilespmem:$0x12100] =	vst v63  }
0x182: {  	_ = 	snop  }
0x183: {  	[tilespmem:s10], [sflag:$0x2] =	stream.indirect_vreg.gather [hbm4b:s7+s0], $0x80, v3, vm0, $0xb8;
	[tilespmem:$0x12100] =	vst v63  }
0x184: {  	v3 =	vld [tilespmem:$0x90];
	_ =	sdelay $0x4  }
0x185: {  	v4 =	vshll.u32 v3, $0x3  }
0x186: {  	v3 =	vand.u32 $0x7, v3;
	v4 =	vand.u32 $0xFFFFFFC0, v4  }
0x187: {  	v3 =	vor.u32 v3, v4  }
0x188: {  	v4 =	vperm.xlane v3, v0;
	_ =	sdelay $0x1  }
0x189: {  	v4 =	vadd.s32 v1, v4;
	_ =	sdelay $0x4  }
0x18a: {  	[tilespmem:s23], [sflag:$0x2] =	stream.indirect_vreg.gather [hbm4b:s1+s0], $0x80, v4, vm0, $0xb8;
	[tilespmem:$0x12100] =	vst v63  }
0x18b: {  	v3 =	vperm.xlane v3, v2  }
0x18c: {  	[tilespmem:s11], [sflag:$0x2] =	stream.indirect_vreg.gather [hbm4b:s5+s0], $0x80, v4, vm0, $0xb8;
	[tilespmem:$0x12100] =	vst v63  }
0x18d: {  	v3 =	vadd.s32 v1, v3  }
0x18e: {  	[tilespmem:s24], [sflag:$0x2] =	stream.indirect_vreg.gather [hbm4b:s6+s0], $0x80, v4, vm0, $0xb8;
	[tilespmem:$0x12100] =	vst v63  }
0x18f: {  	_ = 	snop  }
0x190: {  	[tilespmem:s25], [sflag:$0x2] =	stream.indirect_vreg.gather [hbm4b:s7+s0], $0x80, v4, vm0, $0xb8;
	[tilespmem:$0x12100] =	vst v63  }
0x191: {  	_ = 	snop  }
0x192: {  	[tilespmem:s26], [sflag:$0x2] =	stream.indirect_vreg.gather [hbm4b:s1+s0], $0x80, v3, vm0, $0xb8;
	[tilespmem:$0x12100] =	vst v63  }
0x193: {  	_ = 	snop  }
0x194: {  	[tilespmem:s28], [sflag:$0x2] =	stream.indirect_vreg.gather [hbm4b:s5+s0], $0x80, v3, vm0, $0xb8;
	[tilespmem:$0x12100] =	vst v63  }
0x195: {  	s17 =	sand.u32 $0x70, s0;
	s18 =	sand.u32 $0x1C00, s0  }
0x196: {  	[tilespmem:s29], [sflag:$0x2] =	stream.indirect_vreg.gather [hbm4b:s6+s0], $0x80, v3, vm0, $0xb8;
	[tilespmem:$0x12100] =	vst v63  }
0x197: {  	s14 =	sor.u32 s17, s18  }
0x198: {  	[tilespmem:s12], [sflag:$0x2] =	stream.indirect_vreg.gather [hbm4b:s7+s0], $0x80, v3, vm0, $0xb8;
	[tilespmem:$0x12100] =	vst v63  }
0x199: {  	v6 =	vld [tilespmem:s14+$0x4180]  }
0x19a: {  	v7 =	vld [tilespmem:s14+$0x4100]  }
0x19b: {  	v8 =	vld [tilespmem:s14+$0x4200]  }
0x19c: {  	v10 =	vld [tilespmem:s14+$0x4280]  }
0x19d: {  	v3 =	vld [tilespmem:s14+$0x380]  }
0x19e: {  	v14 =	vld [tilespmem:s14+$0x300]  }
0x19f: {  	v11 =	vld [tilespmem:s14+$0x2380]  }
0x1a0: {  	v4 =	vld [tilespmem:s14+$0x6280]  }
0x1a1: {  	v5 =	vld [tilespmem:s14+$0x6200]  }
0x1a2: {  	v9 =	vld [tilespmem:s14+$0x2480]  }
0x1a3: {  	v13 =	vld [tilespmem:s14+$0x2200]  }
0x1a4: {  	v12 =	vld [tilespmem:s14+$0x2180]  }
0x1a5: {  	s2 =	simm.s32 $0x10;
	s15 =	sor.u32 s0, s0;
	v3 =	vadd.f32 v3, v14;
	v14 =	vld [tilespmem:s14+$0x2300]  }
.LBB2_6:
0x1a6: {  	p0 =	sne.s32 s2, $0x3F0  }
0x1a7: {  	v15 =	vld [tilespmem:s14+$0x2280];
	s0 =	sadd.s32 $0x80, s0;
	s8 =	smov.u32 s2;
	s2 =	sadd.s32 $0x10, s2  }
0x1a8: {  	v8 =	vadd.f32 v10, v8;
	s17 =	sor.u32 s0, s8;
	v16 =	vld [tilespmem:s14+$0x280]  }
0x1a9: {  	v6 =	vadd.f32 v6, v7;
	v10 =	vld [tilespmem:s14+$0x180]  }
0x1aa: {  	v7 =	vld [tilespmem:s14+$0x2100]  }
0x1ab: {  	v6 =	vadd.f32 v8, v6;
	v17 =	vld [tilespmem:s14+$0x2400]  }
0x1ac: {  	v11 =	vadd.f32 v11, v14;
	v8 =	vld [tilespmem:s14+$0x100]  }
0x1ad: {  	v6 =	vmul.f32 $2.500000000e-01, v6;
	v13 =	vadd.f32 v15, v13;
	v14 =	vld [tilespmem:s14+$0x200]  }
0x1ae: {  	v15 =	vld [tilespmem:s14+$0x4480]  }
0x1af: {  	v7 =	vadd.f32 v12, v7;
	v12 =	vld [tilespmem:s14+$0x4400]  }
0x1b0: {  	v9 =	vadd.f32 v9, v17;
	v17 =	vld [tilespmem:s14+$0x6180]  }
0x1b1: {  	v8 =	vadd.f32 v10, v8;
	v7 =	vadd.f32 v13, v7;
	v10 =	vld [tilespmem:s14+$0x6100]  }
0x1b2: {  	v13 =	vadd.f32 v16, v14;
	v9 =	vadd.f32 v9, v11;
	v11 =	vld [tilespmem:s14+$0x4380]  }
0x1b3: {  	v14 =	vld [tilespmem:s14+$0x4300]  }
0x1b4: {  	v7 =	vmul.f32 $2.500000000e-01, v7;
	v8 =	vadd.f32 v13, v8;
	v12 =	vadd.f32 v15, v12  }
0x1b5: {  	v13 =	vld [tilespmem:s14+$0x6480]  }
0x1b6: {  	v4 =	vadd.f32 v4, v5;
	v8 =	vmul.f32 $2.500000000e-01, v8;
	v10 =	vadd.f32 v17, v10;
	v5 =	vld [tilespmem:s14+$0x6400]  }
0x1b7: {  	v15 =	vld [tilespmem:s14+$0x6380]  }
0x1b8: {  	s18 =	sor.u32 $0x380, s15;
	s15 =	smov.u32 s17;
	v9 =	vmul.f32 $2.500000000e-01, v9;
	[tilespmem:s14+$0x10100] =	vst v8;
	v8 =	vld [tilespmem:s14+$0x400];
	v11 =	vadd.f32 v11, v14;
	v4 =	vadd.f32 v4, v10  }
0x1b9: {  	s8 =	sand.u32 $0x70, s8;
	s17 =	sand.u32 $0x1C00, s0;
	v10 =	vld [tilespmem:s18+$0x100]  }
0x1ba: {  	s8 =	sor.u32 s8, s17;
	[tilespmem:s14+$0x10200] =	vst v7;
	v7 =	vadd.f32 v12, v11;
	v4 =	vmul.f32 $2.500000000e-01, v4;
	v11 =	vld [tilespmem:s14+$0x6300]  }
0x1bb: {  	[tilespmem:s14+$0x10280] =	vst v9  }
0x1bc: {  	v7 =	vmul.f32 $2.500000000e-01, v7;
	[tilespmem:s14+$0x10400] =	vst v4  }
0x1bd: {  	[tilespmem:s14+$0x10300] =	vst v6  }
0x1be: {  	v4 =	vadd.f32 v10, v8;
	[tilespmem:s14+$0x10380] =	vst v7  }
0x1bf: {  	v5 =	vadd.f32 v13, v5;
	v6 =	vadd.f32 v15, v11  }
0x1c0: {  	v3 =	vadd.f32 v4, v3  }
0x1c1: {  	v4 =	vadd.f32 v5, v6  }
0x1c2: {  	v3 =	vmul.f32 $2.500000000e-01, v3  }
0x1c3: {  	v4 =	vmul.f32 $2.500000000e-01, v4  }
0x1c4: {  	[tilespmem:s14+$0x10180] =	vst v3;
	s14 =	smov.u32 s8  }
0x1c5: {  	[tilespmem:s18+$0x10100] =	vst v4  }
0x1c6: {  	v6 =	vld [tilespmem:s14+$0x4180]  }
0x1c7: {  	v7 =	vld [tilespmem:s14+$0x4100]  }
0x1c8: {  	v8 =	vld [tilespmem:s14+$0x4200]  }
0x1c9: {  	v10 =	vld [tilespmem:s14+$0x4280]  }
0x1ca: {  	v3 =	vld [tilespmem:s14+$0x380]  }
0x1cb: {  	v12 =	vld [tilespmem:s14+$0x300]  }
0x1cc: {  	v11 =	vld [tilespmem:s14+$0x2380]  }
0x1cd: {  	v4 =	vld [tilespmem:s14+$0x6280]  }
.Ltmp2:
0x1ce: {  	v5 =	vld [tilespmem:s14+$0x6200];
	(pc) =	sbr.rel @p0 .LBB2_6-.Ltmp2, $4  }
0x1cf: {  	v9 =	vld [tilespmem:s14+$0x2480]  }
0x1d0: {  	v3 =	vadd.f32 v3, v12;
	v13 =	vld [tilespmem:s14+$0x2200]  }
0x1d1: {  	v12 =	vld [tilespmem:s14+$0x2180]  }
0x1d2: {  	v14 =	vld [tilespmem:s14+$0x2300]  }
0x1d3: {  	v15 =	vld [tilespmem:s14+$0x2280]  }
0x1d4: {  	v16 =	vld [tilespmem:s14+$0x280]  }
0x1d5: {  	v17 =	vld [tilespmem:s14+$0x180]  }
0x1d6: {  	v18 =	vld [tilespmem:s14+$0x2100]  }
0x1d7: {  	v19 =	vld [tilespmem:s14+$0x100]  }
0x1d8: {  	v20 =	vld [tilespmem:s14+$0x200]  }
0x1d9: {  	v21 =	vld [tilespmem:s14+$0x2400]  }
0x1da: {  	v22 =	vld [tilespmem:s14+$0x4480]  }
0x1db: {  	v23 =	vld [tilespmem:s14+$0x4400]  }
0x1dc: {  	v24 =	vld [tilespmem:s14+$0x6180]  }
0x1dd: {  	v59 =	vld [tilespmem:s14+$0x6100];
	v17 =	vadd.f32 v17, v19;
	v16 =	vadd.f32 v16, v20  }
0x1de: {  	v60 =	vld [tilespmem:s14+$0x4380]  }
0x1df: {  	v61 =	vld [tilespmem:s14+$0x4300];
	v16 =	vadd.f32 v16, v17  }
0x1e0: {  	v62 =	vld [tilespmem:s14+$0x6400]  }
0x1e1: {  	v63 =	vld [tilespmem:s14+$0x400];
	v13 =	vadd.f32 v15, v13;
	v12 =	vadd.f32 v12, v18;
	v16 =	vmul.f32 $2.500000000e-01, v16  }
0x1e2: {  	v11 =	vadd.f32 v11, v14;
	v15 =	vld [tilespmem:s14+$0x6480]  }
0x1e3: {  	s0 =	sor.u32 $0x380, s15;
	v9 =	vadd.f32 v9, v21;
	v12 =	vadd.f32 v13, v12;
	v13 =	vld [tilespmem:s14+$0x6380];
	[tilespmem:s14+$0x10100] =	vst v16  }
0x1e4: {  	v8 =	vadd.f32 v10, v8;
	v14 =	vld [tilespmem:s0+$0x100]  }
0x1e5: {  	v6 =	vadd.f32 v6, v7;
	v7 =	vadd.f32 v9, v11;
	v9 =	vld [tilespmem:s14+$0x6300]  }
0x1e6: {  	v4 =	vadd.f32 v4, v5;
	v10 =	vadd.f32 v24, v59  }
0x1e7: {  	v5 =	vadd.f32 v22, v23;
	v11 =	vadd.f32 v60, v61  }
0x1e8: {  	v6 =	vadd.f32 v8, v6;
	v4 =	vadd.f32 v4, v10;
	v12 =	vmul.f32 $2.500000000e-01, v12  }
0x1e9: {  	v7 =	vmul.f32 $2.500000000e-01, v7;
	v5 =	vadd.f32 v5, v11;
	v8 =	vadd.f32 v14, v63  }
0x1ea: {  	v4 =	vmul.f32 $2.500000000e-01, v4;
	v10 =	vadd.f32 v15, v62;
	[tilespmem:s14+$0x10200] =	vst v12;
	v9 =	vadd.f32 v13, v9  }
0x1eb: {  	v6 =	vmul.f32 $2.500000000e-01, v6;
	[tilespmem:s14+$0x10280] =	vst v7;
	v3 =	vadd.f32 v8, v3  }
0x1ec: {  	v5 =	vmul.f32 $2.500000000e-01, v5;
	[tilespmem:s14+$0x10400] =	vst v4;
	v4 =	vadd.f32 v10, v9  }
0x1ed: {  	[tilespmem:s14+$0x10300] =	vst v6;
	v3 =	vmul.f32 $2.500000000e-01, v3  }
0x1ee: {  	[tilespmem:s14+$0x10380] =	vst v5;
	v4 =	vmul.f32 $2.500000000e-01, v4  }
0x1ef: {  	[tilespmem:s14+$0x10180] =	vst v3  }
0x1f0: {  	s2 =	rddreg [dreg:$0xa];
	[tilespmem:s0+$0x10100] =	vst v4;
	s0 =	simm.s32 $0x0  }
0x1f1: {  	[hbm4b:s2+s0] =	stream.linear.scatter [tilespmem:s30], [sflag:$0x3], $0x2000, $0x38;
	[tilespmem:$0x12100] =	vst v63  }
0x1f2: {  	_ =	swait.ge [sflag:s16], $0x2000  }
0x1f3: {  	[sflag:s16] =	ssyncset.done $0x0  }
0x1f4: {  	[sflag:s16] =	ssyncadd.s32 $0xFFFFE000  }
0x1f5: {  	_ =	swait.ge [sflag:s13], $0x8000  }
0x1f6: {  	s18 =	sand.u32 $0x70, s0;
	s8 =	sand.u32 $0x1C00, s0;
	[sflag:s13] =	ssyncset.done $0x0  }
0x1f7: {  	s14 =	sor.u32 s18, s8;
	[sflag:s13] =	ssyncadd.s32 $0xFFFF8000  }
0x1f8: {  	v6 =	vld [tilespmem:s14+$0xC180]  }
0x1f9: {  	v7 =	vld [tilespmem:s14+$0xC100]  }
0x1fa: {  	v8 =	vld [tilespmem:s14+$0xC200]  }
0x1fb: {  	v10 =	vld [tilespmem:s14+$0xC280]  }
0x1fc: {  	v3 =	vld [tilespmem:s14+$0x8380]  }
0x1fd: {  	v14 =	vld [tilespmem:s14+$0x8300]  }
0x1fe: {  	v11 =	vld [tilespmem:s14+$0xA380]  }
0x1ff: {  	v4 =	vld [tilespmem:s14+$0xE280]  }
0x200: {  	v5 =	vld [tilespmem:s14+$0xE200]  }
0x201: {  	v9 =	vld [tilespmem:s14+$0xA480]  }
0x202: {  	v13 =	vld [tilespmem:s14+$0xA200]  }
0x203: {  	v12 =	vld [tilespmem:s14+$0xA180]  }
0x204: {  	s2 =	simm.s32 $0x10;
	s15 =	sor.u32 s0, s0;
	v3 =	vadd.f32 v3, v14;
	v14 =	vld [tilespmem:s14+$0xA300]  }
.LBB2_8:
0x205: {  	p0 =	sne.s32 s2, $0x3F0  }
0x206: {  	v15 =	vld [tilespmem:s14+$0xA280];
	s0 =	sadd.s32 $0x80, s0;
	s8 =	smov.u32 s2;
	s2 =	sadd.s32 $0x10, s2  }
0x207: {  	v8 =	vadd.f32 v10, v8;
	s17 =	sor.u32 s0, s8;
	v16 =	vld [tilespmem:s14+$0x8280]  }
0x208: {  	v6 =	vadd.f32 v6, v7;
	v10 =	vld [tilespmem:s14+$0x8180]  }
0x209: {  	v7 =	vld [tilespmem:s14+$0xA100]  }
0x20a: {  	v6 =	vadd.f32 v8, v6;
	v17 =	vld [tilespmem:s14+$0xA400]  }
0x20b: {  	v11 =	vadd.f32 v11, v14;
	v8 =	vld [tilespmem:s14+$0x8100]  }
0x20c: {  	v6 =	vmul.f32 $2.500000000e-01, v6;
	v13 =	vadd.f32 v15, v13;
	v14 =	vld [tilespmem:s14+$0x8200]  }
0x20d: {  	v15 =	vld [tilespmem:s14+$0xC480]  }
0x20e: {  	v7 =	vadd.f32 v12, v7;
	v12 =	vld [tilespmem:s14+$0xC400]  }
0x20f: {  	v9 =	vadd.f32 v9, v17;
	v17 =	vld [tilespmem:s14+$0xE180]  }
0x210: {  	v8 =	vadd.f32 v10, v8;
	v7 =	vadd.f32 v13, v7;
	v10 =	vld [tilespmem:s14+$0xE100]  }
0x211: {  	v13 =	vadd.f32 v16, v14;
	v9 =	vadd.f32 v9, v11;
	v11 =	vld [tilespmem:s14+$0xC380]  }
0x212: {  	v14 =	vld [tilespmem:s14+$0xC300]  }
0x213: {  	v7 =	vmul.f32 $2.500000000e-01, v7;
	v8 =	vadd.f32 v13, v8;
	v12 =	vadd.f32 v15, v12  }
0x214: {  	v13 =	vld [tilespmem:s14+$0xE480]  }
0x215: {  	v4 =	vadd.f32 v4, v5;
	v8 =	vmul.f32 $2.500000000e-01, v8;
	v10 =	vadd.f32 v17, v10;
	v5 =	vld [tilespmem:s14+$0xE400]  }
0x216: {  	v15 =	vld [tilespmem:s14+$0xE380]  }
0x217: {  	s18 =	sor.u32 $0x380, s15;
	s15 =	smov.u32 s17;
	v9 =	vmul.f32 $2.500000000e-01, v9;
	[tilespmem:s14+$0x10100] =	vst v8;
	v8 =	vld [tilespmem:s14+$0x8400];
	v11 =	vadd.f32 v11, v14;
	v4 =	vadd.f32 v4, v10  }
0x218: {  	s8 =	sand.u32 $0x70, s8;
	s17 =	sand.u32 $0x1C00, s0;
	v10 =	vld [tilespmem:s18+$0x8100]  }
0x219: {  	s8 =	sor.u32 s8, s17;
	[tilespmem:s14+$0x10200] =	vst v7;
	v7 =	vadd.f32 v12, v11;
	v4 =	vmul.f32 $2.500000000e-01, v4;
	v11 =	vld [tilespmem:s14+$0xE300]  }
0x21a: {  	[tilespmem:s14+$0x10280] =	vst v9  }
0x21b: {  	v7 =	vmul.f32 $2.500000000e-01, v7;
	[tilespmem:s14+$0x10400] =	vst v4  }
0x21c: {  	[tilespmem:s14+$0x10300] =	vst v6  }
0x21d: {  	v4 =	vadd.f32 v10, v8;
	[tilespmem:s14+$0x10380] =	vst v7  }
0x21e: {  	v5 =	vadd.f32 v13, v5;
	v6 =	vadd.f32 v15, v11  }
0x21f: {  	v3 =	vadd.f32 v4, v3  }
0x220: {  	v4 =	vadd.f32 v5, v6  }
0x221: {  	v3 =	vmul.f32 $2.500000000e-01, v3  }
0x222: {  	v4 =	vmul.f32 $2.500000000e-01, v4  }
0x223: {  	[tilespmem:s14+$0x10180] =	vst v3;
	s14 =	smov.u32 s8  }
0x224: {  	[tilespmem:s18+$0x10100] =	vst v4  }
0x225: {  	v6 =	vld [tilespmem:s14+$0xC180]  }
0x226: {  	v7 =	vld [tilespmem:s14+$0xC100]  }
0x227: {  	v8 =	vld [tilespmem:s14+$0xC200]  }
0x228: {  	v10 =	vld [tilespmem:s14+$0xC280]  }
0x229: {  	v3 =	vld [tilespmem:s14+$0x8380]  }
0x22a: {  	v12 =	vld [tilespmem:s14+$0x8300]  }
0x22b: {  	v11 =	vld [tilespmem:s14+$0xA380]  }
0x22c: {  	v4 =	vld [tilespmem:s14+$0xE280]  }
.Ltmp3:
0x22d: {  	v5 =	vld [tilespmem:s14+$0xE200];
	(pc) =	sbr.rel @p0 .LBB2_8-.Ltmp3, $4  }
0x22e: {  	v9 =	vld [tilespmem:s14+$0xA480]  }
0x22f: {  	v3 =	vadd.f32 v3, v12;
	v13 =	vld [tilespmem:s14+$0xA200]  }
0x230: {  	v12 =	vld [tilespmem:s14+$0xA180]  }
0x231: {  	v14 =	vld [tilespmem:s14+$0xA300]  }
0x232: {  	v15 =	vld [tilespmem:s14+$0xA280]  }
0x233: {  	v16 =	vld [tilespmem:s14+$0x8280]  }
0x234: {  	v17 =	vld [tilespmem:s14+$0x8180]  }
0x235: {  	v18 =	vld [tilespmem:s14+$0xA100]  }
0x236: {  	v19 =	vld [tilespmem:s14+$0x8100]  }
0x237: {  	v20 =	vld [tilespmem:s14+$0x8200]  }
0x238: {  	v21 =	vld [tilespmem:s14+$0xA400]  }
0x239: {  	v22 =	vld [tilespmem:s14+$0xC480]  }
0x23a: {  	v23 =	vld [tilespmem:s14+$0xC400]  }
0x23b: {  	v24 =	vld [tilespmem:s14+$0xE180]  }
0x23c: {  	v48 =	vld [tilespmem:s14+$0xE100];
	v17 =	vadd.f32 v17, v19;
	v16 =	vadd.f32 v16, v20  }
0x23d: {  	v49 =	vld [tilespmem:s14+$0xC380]  }
0x23e: {  	v50 =	vld [tilespmem:s14+$0xC300];
	v16 =	vadd.f32 v16, v17  }
0x23f: {  	v51 =	vld [tilespmem:s14+$0xE480]  }
0x240: {  	v52 =	vld [tilespmem:s14+$0xE400];
	v8 =	vadd.f32 v10, v8;
	v6 =	vadd.f32 v6, v7;
	v16 =	vmul.f32 $2.500000000e-01, v16  }
0x241: {  	v53 =	vld [tilespmem:s14+$0xE380]  }
0x242: {  	v54 =	vld [tilespmem:s14+$0x8400];
	s0 =	sor.u32 $0x380, s15;
	v4 =	vadd.f32 v4, v5;
	v6 =	vadd.f32 v8, v6;
	[tilespmem:s14+$0x10100] =	vst v16  }
0x243: {  	v13 =	vadd.f32 v15, v13;
	v12 =	vadd.f32 v12, v18;
	v55 =	vld [tilespmem:s0+$0x8100]  }
0x244: {  	v57 =	vld [tilespmem:s14+$0xE300];
	v11 =	vadd.f32 v11, v14;
	v9 =	vadd.f32 v9, v21  }
0x245: {  	v58 =	vadd.f32 v24, v48;
	v12 =	vadd.f32 v13, v12  }
0x246: {  	v59 =	vadd.f32 v22, v23;
	v56 =	vadd.f32 v9, v11  }
0x247: {  	v60 =	vadd.f32 v49, v50;
	v4 =	vadd.f32 v4, v58;
	v12 =	vmul.f32 $2.500000000e-01, v12  }
0x248: {  	v62 =	vadd.f32 v51, v52;
	v7 =	vmul.f32 $2.500000000e-01, v56;
	v61 =	vadd.f32 v55, v54  }
0x249: {  	v5 =	vadd.f32 v59, v60;
	v9 =	vadd.f32 v53, v57;
	v4 =	vmul.f32 $2.500000000e-01, v4;
	[tilespmem:s14+$0x10200] =	vst v12  }
0x24a: {  	v6 =	vmul.f32 $2.500000000e-01, v6;
	[tilespmem:s14+$0x10280] =	vst v7;
	v3 =	vadd.f32 v61, v3  }
0x24b: {  	v5 =	vmul.f32 $2.500000000e-01, v5;
	v63 =	vadd.f32 v62, v9;
	[tilespmem:s14+$0x10400] =	vst v4  }
0x24c: {  	[tilespmem:s14+$0x10300] =	vst v6;
	v3 =	vmul.f32 $2.500000000e-01, v3  }
0x24d: {  	[tilespmem:s14+$0x10380] =	vst v5;
	v4 =	vmul.f32 $2.500000000e-01, v63  }
0x24e: {  	[tilespmem:s14+$0x10180] =	vst v3  }
0x24f: {  	s17 =	rddreg [dreg:$0xb];
	[tilespmem:s0+$0x10100] =	vst v4  }
0x250: {  	[hbm4b:s17+s3] =	stream.linear.scatter [tilespmem:s30], [sflag:$0x3], $0x2000, $0x38;
	[tilespmem:$0x12100] =	vst v63  }
0x251: {  	_ =	swait.ge [sflag:s16], $0x2000  }
0x252: {  	s31 =	sadd.s32 $0x1, s31;
	s18 =	rddreg [dreg:$0xc]  }
0x253: {  	p0 =	sne.s32 s31, s18  }
.Ltmp4:
0x254: {  	_ = 	snop;
	(pc) =	sbr.rel @p0 .LBB2_1-.Ltmp4, $3  }
0x255: {  	_ =	sdelay $0x1  }
0x256: {  	[sflag:s16] =	ssyncset.done $0x0  }
0x257: {  	[sflag:s16] =	ssyncadd.s32 $0xFFFFE000  }
0x258: {  	_ =	sfence.sel $0x180000  }
0x259: {  	[bflag:$0x0] =	sbarrier.arrive $0xFFFF  }
0x25a: {  	_ =	strace $0x90000047  }
0x25b: {  	s0 =	stileid.u32;
	[bflag:$0x2] =	sbarrier.arrive $0xFFFF  }
0x25c: {  	p0 =	sne.s32 s0, $0x0;
	s0 =	rddreg [dreg:$0x3]  }
0x25d: {  	s0 =	sadd.s32 @!p0 $0x100000, s0  }
0x25e: {  	[sflag:s0] =	ssyncadd.tile.s32 @!p0 $0x1;
	_ =	shalt  }
.Lfunc_end2:
_tile_overlayer_lowered:
.L_overlay_start_2:
0x25f: {  	(tag) =	ssettag $0x2  }
0x260: {  	s0 =	rddreg [dreg:$0x0];
	s2 =	stileid.u32  }
0x261: {  	s1 =	rddreg [dreg:$0x1];
	p0 =	sne.s32 s2, $0x0  }
0x262: {  	s3 =	rddreg [dreg:$0x2];
	[bflag:$0x3] =	sbarrier.arrive $0xFFFF;
	s2 =	simm.s32 @!p0 $0x1C03  }
0x263: {  	[timem:s3], [sflag:s2] =	dma.local @!p0 [hbm:s0], s1  }
0x264: {  	s0 =	simm.s32 @!p0 $0x3  }
0x265: {  	_ =	swait.ge @!p0 [sflag:s0], s1  }
0x266: {  	s1 =	ssub.s32 @!p0 $0x0, s1;
	[sflag:s0] =	ssyncset.done @!p0 $0x0  }
0x267: {  	[sflag:s0] =	ssyncadd.s32 @!p0 s1  }
0x268: {  	[bflag:$0x3] =	sbarrier.arrive $0xFFFF  }
0x269: {  	_ =	shalt  }

</sc_bundles>
